<compile_context>
chip_gen: v7x
topology: tpu7x:2x2x1
jax: 0.10.2.dev20260603
libtpu: 0.0.44.dev20260713+nightly
codegen_flags: <defaults>
</compile_context>

<pallas_src>
import functools
import math

import jax
import jax.numpy as jnp
from jax import lax
from jax.experimental import pallas as pl
from jax.experimental.pallas import tpu as pltpu
from jax.experimental.pallas import tpu_sc as plsc

NC = 2
NS = 16
CH = 128
BN_SCALE = 1.0 / math.sqrt(1.0 + 1e-5)



DEG_NB = 3
AGG_NB = 3


def _deg_body(np_, rps, cpw, dst_ref, out_ref, acc, idxd, ones, zbuf, semi,
              sems):
    nb = DEG_NB
    c = lax.axis_index("c")
    s = lax.axis_index("s")
    w = c * NS + s
    base = w * cpw
    grp = cpw // nb
    zlen = -(-rps // 16) * 16

    def fill_z(i, _):
        zbuf[pl.ds(i * 16, 16)] = jnp.zeros((16,), jnp.float32)
        return 0

    lax.fori_loop(0, zlen // 16, fill_z, 0)

    def fill_o(i, _):
        ones[pl.ds(i * 16, 16)] = jnp.ones((16,), jnp.float32)
        return 0

    lax.fori_loop(0, CH // 16, fill_o, 0)

    pltpu.sync_copy(zbuf.at[pl.ds(0, rps)], acc.at[pl.ds(s * rps, rps)])
    plsc.subcore_barrier()

    def idx_issue(g, po):
        for b in range(nb):
            ch = base + g * nb + b
            pltpu.async_copy(dst_ref.at[pl.ds(ch * CH, CH)], idxd.at[po + b],
                             semi)
        for b in range(nb):
            pltpu.make_async_copy(dst_ref.at[pl.ds(0, CH)], idxd.at[po + b],
                                  semi).wait()

    def scatter_issue(po):
        for b in range(nb):
            pltpu.async_copy(ones, acc.at[idxd.at[po + b]], sems, add=True)

    def scatter_wait(po):
        for b in range(nb):
            pltpu.make_async_copy(ones, acc.at[pl.ds(0, CH)], sems).wait()

    idx_issue(0, 0)

    def loop_body(t, _):
        po = (t % 2) * nb
        qo = nb - po

        @pl.when(t > 0)
        def _():
            scatter_wait(qo)

        scatter_issue(po)
        idx_issue(jnp.minimum(t + 1, grp - 1), qo)
        return 0

    lax.fori_loop(0, grp, loop_body, 0)
    scatter_wait(((grp - 1) % 2) * nb)
    plsc.subcore_barrier()
    pltpu.sync_copy(acc.at[pl.ds(s * rps, rps)],
                    out_ref.at[pl.ds(c * np_ + s * rps, rps)])


def _scatter_body(rps, cps, lo_ref, hi_ref, src_ref, dst_ref,
                  out_lo_ref, out_hi_ref, acc, idxs, idxd, rows,
                  semi, semg, sems_a, sems_b):
    nb = AGG_NB
    c = lax.axis_index("c")
    s = lax.axis_index("s")
    grp = cps // nb

    def run(hs_ref, out_ref):
        base = s * cps
        pltpu.sync_copy(hs_ref.at[pl.ds(s * rps, rps)],
                        acc.at[pl.ds(s * rps, rps)])
        plsc.subcore_barrier()

        def idx_issue(g, so):
            for b in range(nb):
                ch = base + g * nb + b
                pltpu.async_copy(src_ref.at[pl.ds(ch * CH, CH)],
                                 idxs.at[so + b], semi)
                pltpu.async_copy(dst_ref.at[pl.ds(ch * CH, CH)],
                                 idxd.at[so + b], semi)

        def idx_wait(so):
            for b in range(nb):
                pltpu.make_async_copy(src_ref.at[pl.ds(0, CH)],
                                      idxs.at[so + b], semi).wait()
                pltpu.make_async_copy(src_ref.at[pl.ds(0, CH)],
                                      idxd.at[so + b], semi).wait()

        def gather_issue(po, so):
            for b in range(nb):
                pltpu.async_copy(hs_ref.at[idxs.at[so + b]],
                                 rows.at[pl.ds((po + b) * CH, CH)], semg)

        def gather_wait(po):
            for b in range(nb):
                pltpu.make_async_copy(hs_ref.at[pl.ds(0, CH)],
                                      rows.at[pl.ds((po + b) * CH, CH)],
                                      semg).wait()

        def scatter_issue(po, so, sem):
            for b in range(nb):
                pltpu.async_copy(rows.at[pl.ds((po + b) * CH, CH)],
                                 acc.at[idxd.at[so + b]], sem, add=True)

        def scatter_wait(po, sem):
            for b in range(nb):
                pltpu.make_async_copy(rows.at[pl.ds((po + b) * CH, CH)],
                                      acc.at[pl.ds(0, CH)], sem).wait()

        idx_issue(0, 0)
        idx_wait(0)
        gather_issue(0, 0)
        idx_issue(jnp.minimum(1, grp - 1), nb)

        def loop_body(u, _):
            for par in range(2):
                t = 2 * u + par
                po = par * nb
                qo = nb - po
                so = lax.rem(t, 3) * nb
                so1 = lax.rem(t + 1, 3) * nb
                so2 = lax.rem(t + 2, 3) * nb
                sem_cur = sems_a if par == 0 else sems_b
                sem_prev = sems_b if par == 0 else sems_a
                gather_wait(po)
                scatter_issue(po, so, sem_cur)
                if par == 0:
                    @pl.when(u > 0)
                    def _(qo=qo, sem_prev=sem_prev):
                        scatter_wait(qo, sem_prev)
                else:
                    scatter_wait(qo, sem_prev)
                idx_wait(so1)
                gather_issue(qo, so1)
                idx_issue(jnp.minimum(t + 2, grp - 1), so2)
            return 0

        lax.fori_loop(0, grp // 2, loop_body, 0)
        gather_wait((grp % 2) * nb)
        scatter_wait(((grp - 1) % 2) * nb,
                     sems_b if (grp - 1) % 2 else sems_a)
        idx_wait(((grp + 1) % 3) * nb)
        plsc.subcore_barrier()
        pltpu.sync_copy(acc.at[pl.ds(s * rps, rps)],
                        out_ref.at[pl.ds(s * rps, rps)])

    pl.when(c == 0)(lambda: run(lo_ref, out_lo_ref))
    pl.when(c == 1)(lambda: run(hi_ref, out_hi_ref))


@functools.partial(jax.jit, static_argnames=("np_", "rps", "cpw"))
def _sc_degree(dst, *, np_, rps, cpw):
    mesh = plsc.VectorSubcoreMesh(core_axis_name="c", subcore_axis_name="s")
    body = functools.partial(_deg_body, np_, rps, cpw)
    return pl.kernel(
        body,
        out_type=jax.ShapeDtypeStruct((NC * np_,), jnp.float32),
        mesh=mesh,
        scratch_types=[
            pltpu.VMEM_SHARED((np_,), jnp.float32),
            pltpu.VMEM((2 * DEG_NB, CH), jnp.int32),
            pltpu.VMEM((CH,), jnp.float32),
            pltpu.VMEM((-(-rps // 16) * 16,), jnp.float32),
            pltpu.SemaphoreType.DMA,
            pltpu.SemaphoreType.DMA,
        ],
        compiler_params=pltpu.CompilerParams(use_tc_tiling_on_sc=False),
        name="sc_gcn_degree",
    )(dst)


@functools.partial(jax.jit, static_argnames=("np_", "rps", "cps"))
def _sc_aggregate(hs_lo, hs_hi, src, dst, *, np_, rps, cps):
    mesh = plsc.VectorSubcoreMesh(core_axis_name="c", subcore_axis_name="s")
    body = functools.partial(_scatter_body, rps, cps)
    return pl.kernel(
        body,
        out_type=(jax.ShapeDtypeStruct((np_, 32), jnp.float32),
                  jax.ShapeDtypeStruct((np_, 32), jnp.float32)),
        mesh=mesh,
        scratch_types=[
            pltpu.VMEM_SHARED((np_, 32), jnp.float32),
            pltpu.VMEM((3 * AGG_NB, CH), jnp.int32),
            pltpu.VMEM((3 * AGG_NB, CH), jnp.int32),
            pltpu.VMEM((2 * AGG_NB * CH, 32), jnp.float32),
            pltpu.SemaphoreType.DMA,
            pltpu.SemaphoreType.DMA,
            pltpu.SemaphoreType.DMA,
            pltpu.SemaphoreType.DMA,
        ],
        compiler_params=pltpu.CompilerParams(use_tc_tiling_on_sc=False),
        name="sc_gcn_aggregate",
    )(hs_lo, hs_hi, src, dst)





def _dinv_packed(p0, p1, rp):
    deg4 = 1.0 + p0 + p1
    dinv4 = lax.rsqrt(deg4)
    parts = [jnp.broadcast_to(dinv4[:, k:k + 1], (rp, 32)) for k in range(4)]
    return jnp.concatenate(parts, axis=1)


def _pre_body(rp, x_ref, p0_ref, p1_ref, We_ref, be_ref, W1_ref,
              h0lo_ref, h0hi_ref, lo_ref, hi_ref):
    dinv = _dinv_packed(p0_ref[:], p1_ref[:], rp)
    d2 = jnp.concatenate([dinv, dinv], axis=1)
    h0 = jax.nn.relu(jnp.dot(x_ref[:], We_ref[:],
                             preferred_element_type=jnp.float32) + be_ref[:])
    hs = d2 * jnp.dot(h0, W1_ref[:], preferred_element_type=jnp.float32)
    h0lo_ref[:] = h0[:, :128]
    h0hi_ref[:] = h0[:, 128:]
    lo_ref[:] = hs[:, :128]
    hi_ref[:] = hs[:, 128:]


def _mid_body(rp, lo_ref, hi_ref, p0_ref, p1_ref, hplo_ref, hphi_ref,
              b_ref, g_ref, bt_ref, Wn_ref, hlo_ref, hhi_ref,
              nlo_ref, nhi_ref):
    dinv = _dinv_packed(p0_ref[:], p1_ref[:], rp)
    d2 = jnp.concatenate([dinv, dinv], axis=1)
    accf = jnp.concatenate([lo_ref[:], hi_ref[:]], axis=1)
    hprev = jnp.concatenate([hplo_ref[:], hphi_ref[:]], axis=1)
    gcn = d2 * accf + b_ref[:]
    t = jax.nn.relu(g_ref[:] * (gcn * BN_SCALE) + bt_ref[:]) + hprev
    hs = d2 * jnp.dot(t, Wn_ref[:], preferred_element_type=jnp.float32)
    hlo_ref[:] = t[:, :128]
    hhi_ref[:] = t[:, 128:]
    nlo_ref[:] = hs[:, :128]
    nhi_ref[:] = hs[:, 128:]


def _final_body(rp, lo_ref, hi_ref, p0_ref, p1_ref, hplo_ref, hphi_ref,
                b_ref, g_ref, bt_ref, Wf1_ref, bf1_ref, gf1_ref, btf1_ref,
                Wf2_ref, bf2_ref, out_ref):
    dinv = _dinv_packed(p0_ref[:], p1_ref[:], rp)
    d2 = jnp.concatenate([dinv, dinv], axis=1)
    accf = jnp.concatenate([lo_ref[:], hi_ref[:]], axis=1)
    hprev = jnp.concatenate([hplo_ref[:], hphi_ref[:]], axis=1)
    gcn = d2 * accf + b_ref[:]
    t = jax.nn.relu(g_ref[:] * (gcn * BN_SCALE) + bt_ref[:]) + hprev
    z = jnp.dot(t, Wf1_ref[:], preferred_element_type=jnp.float32) + bf1_ref[:]
    z = jax.nn.relu(gf1_ref[:] * (z * BN_SCALE) + btf1_ref[:])
    out_ref[:] = jnp.tanh(
        jnp.dot(z, Wf2_ref[:], preferred_element_type=jnp.float32) + bf2_ref[:])


def _row_spec(r, cols):
    return pl.BlockSpec((r, cols), lambda i: (i, 0))


def _full_spec(shape):
    return pl.BlockSpec(shape, lambda i: tuple(0 for _ in shape))


def _tc_pre(x, p0, p1, We, be, W1, *, np_p, rp):
    grid = (np_p // rp,)
    return pl.pallas_call(
        functools.partial(_pre_body, rp),
        grid=grid,
        in_specs=[_row_spec(rp, 8), _row_spec(rp, 4), _row_spec(rp, 4),
                  _full_spec((8, 256)), _full_spec((1, 256)),
                  _full_spec((256, 256))],
        out_specs=[_row_spec(rp, 128)] * 4,
        out_shape=[jax.ShapeDtypeStruct((np_p, 128), jnp.float32)] * 4,
        name="tc_gnn_pre",
    )(x, p0, p1, We, be, W1)


def _tc_mid(acc_lo, acc_hi, p0, p1, hplo, hphi, b, g, bt, Wn, *, np_p,
            rp):
    grid = (np_p // rp,)
    return pl.pallas_call(
        functools.partial(_mid_body, rp),
        grid=grid,
        in_specs=[_row_spec(rp, 128), _row_spec(rp, 128),
                  _row_spec(rp, 4), _row_spec(rp, 4),
                  _row_spec(rp, 128), _row_spec(rp, 128),
                  _full_spec((1, 256)), _full_spec((1, 256)),
                  _full_spec((1, 256)), _full_spec((256, 256))],
        out_specs=[_row_spec(rp, 128)] * 4,
        out_shape=[jax.ShapeDtypeStruct((np_p, 128), jnp.float32)] * 4,
        name="tc_gnn_mid",
    )(acc_lo, acc_hi, p0, p1, hplo, hphi, b, g, bt, Wn)


def _tc_final(acc_lo, acc_hi, p0, p1, hplo, hphi, b, g, bt, Wf1, bf1, gf1,
              btf1, Wf2, bf2, *, np_p, rp):
    grid = (np_p // rp,)
    return pl.pallas_call(
        functools.partial(_final_body, rp),
        grid=grid,
        in_specs=[_row_spec(rp, 128), _row_spec(rp, 128),
                  _row_spec(rp, 4), _row_spec(rp, 4),
                  _row_spec(rp, 128), _row_spec(rp, 128),
                  _full_spec((1, 256)), _full_spec((1, 256)),
                  _full_spec((1, 256)), _full_spec((256, 128)),
                  _full_spec((1, 128)), _full_spec((1, 128)),
                  _full_spec((1, 128)), _full_spec((128, 8)),
                  _full_spec((1, 8))],
        out_specs=[_row_spec(rp, 8)],
        out_shape=[jax.ShapeDtypeStruct((np_p, 8), jnp.float32)],
        name="tc_gnn_final",
    )(acc_lo, acc_hi, p0, p1, hplo, hphi, b, g, bt, Wf1, bf1, gf1, btf1,
      Wf2, bf2)[0]



def kernel(x, edge_index, W_enc, b_enc, W1, b1, g1, bt1, W2, b2, g2, bt2,
           W3, b3, g3, bt3, Wf1, bf1, gf1, btf1, Wf2, bf2):
    n = x.shape[0]
    e = edge_index.shape[1]
    np_ = -(-n // (NS * 8)) * (NS * 8)
    rps = np_ // NS

    per_w = -(-e // (CH * NC * NS * DEG_NB)) * DEG_NB
    e_pad = per_w * CH * NC * NS
    src = jnp.concatenate([edge_index[0], jnp.zeros((e_pad - e,), jnp.int32)])
    dst = jnp.concatenate([edge_index[1],
                           jnp.full((e_pad - e,), n, jnp.int32)])
    cps = e_pad // (CH * NS)

    n_p, np_p = n // 4, np_ // 4
    rp = np_p // 4 if np_p % 32 == 0 else np_p

    pdeg = _sc_degree(dst, np_=np_, rps=rps, cpw=per_w)
    p0 = pdeg[:np_].reshape(np_p, 4)
    p1 = pdeg[np_:].reshape(np_p, 4)
    xp = jnp.concatenate([x.reshape(n_p, 8),
                          jnp.zeros((np_p - n_p, 8), jnp.float32)])

    i4 = jnp.eye(4, dtype=jnp.float32)

    def bd(m):
        return jnp.kron(i4, m)

    def wcat(w):
        return jnp.block([[bd(w[:32, :32]), bd(w[:32, 32:])],
                          [bd(w[32:, :32]), bd(w[32:, 32:])]])

    def vcat(v):
        return jnp.concatenate([jnp.tile(v[:32], 4),
                                jnp.tile(v[32:], 4)]).reshape(1, 256)

    wecat = jnp.concatenate([bd(W_enc[:, :32]), bd(W_enc[:, 32:])], axis=1)
    wf1cat = jnp.concatenate([bd(Wf1[:32, :]), bd(Wf1[32:, :])], axis=0)

    h0lo, h0hi, lo, hi = _tc_pre(xp, p0, p1, wecat, vcat(b_enc), wcat(W1),
                                 np_p=np_p, rp=rp)

    def agg(lo_p, hi_p):
        a_lo, a_hi = _sc_aggregate(lo_p.reshape(np_, 32),
                                   hi_p.reshape(np_, 32), src, dst,
                                   np_=np_, rps=rps, cps=cps)
        return a_lo.reshape(np_p, 128), a_hi.reshape(np_p, 128)

    a_lo, a_hi = agg(lo, hi)
    h1lo, h1hi, lo, hi = _tc_mid(a_lo, a_hi, p0, p1, h0lo, h0hi, vcat(b1),
                                 vcat(g1), vcat(bt1), wcat(W2),
                                 np_p=np_p, rp=rp)
    a_lo, a_hi = agg(lo, hi)
    h2lo, h2hi, lo, hi = _tc_mid(a_lo, a_hi, p0, p1, h1lo, h1hi, vcat(b2),
                                 vcat(g2), vcat(bt2), wcat(W3),
                                 np_p=np_p, rp=rp)
    a_lo, a_hi = agg(lo, hi)
    out_p = _tc_final(a_lo, a_hi, p0, p1, h2lo, h2hi, vcat(b3), vcat(g3),
                      vcat(bt3), wf1cat, jnp.tile(bf1, 4).reshape(1, 128),
                      jnp.tile(gf1, 4).reshape(1, 128),
                      jnp.tile(btf1, 4).reshape(1, 128), bd(Wf2),
                      jnp.tile(bf2, 4).reshape(1, 8), np_p=np_p, rp=rp)
    return out_p[:n_p].reshape(n, 2)

# --- scband reference (transcript-rebuilt; emitter-appended) ---
"""Pipeline reference for scband-enhanced-gnn-4569845202976 (READ-ONLY COPY).

The authoritative reference and input builder live on the scoring server;
editing this copy changes nothing except your own understanding.
"""

import jax, jax.numpy as jnp
import numpy as np

N = 50000
E = 800000
H = 64

def _glorot(k, shape):
    fan = shape[0] + shape[1]
    return jax.random.normal(k, shape, jnp.float32) * np.sqrt(2.0 / fan)

def setup_inputs(seed: int = 0):
    key = jax.random.key(seed)
    ks = jax.random.split(key, 8)
    inp = {}
    inp['x'] = jax.random.normal(ks[0], (N, 2), jnp.float32)
    inp['edge_index'] = jax.random.randint(ks[1], (2, E), 0, N, dtype=jnp.int32)
    inp['W_enc'] = _glorot(ks[2], (2, H)); inp['b_enc'] = jnp.zeros((H,), jnp.float32)
    inp['W1'] = _glorot(ks[3], (H, H)); inp['b1'] = jnp.zeros((H,), jnp.float32)
    inp['g1'] = jnp.ones((H,), jnp.float32); inp['bt1'] = jnp.zeros((H,), jnp.float32)
    inp['W2'] = _glorot(ks[4], (H, H)); inp['b2'] = jnp.zeros((H,), jnp.float32)
    inp['g2'] = jnp.ones((H,), jnp.float32); inp['bt2'] = jnp.zeros((H,), jnp.float32)
    inp['W3'] = _glorot(ks[5], (H, H)); inp['b3'] = jnp.zeros((H,), jnp.float32)
    inp['g3'] = jnp.ones((H,), jnp.float32); inp['bt3'] = jnp.zeros((H,), jnp.float32)
    inp['Wf1'] = _glorot(ks[6], (H, 32)); inp['bf1'] = jnp.zeros((32,), jnp.float32)
    inp['gf1'] = jnp.ones((32,), jnp.float32); inp['btf1'] = jnp.zeros((32,), jnp.float32)
    inp['Wf2'] = _glorot(ks[7], (32, 2)); inp['bf2'] = jnp.zeros((2,), jnp.float32)
    return inp

def _gcn(x, edge_index, W, b):
    n = x.shape[0]
    h = x @ W
    src = edge_index[0]
    dst = edge_index[1]
    loop = jnp.arange(n, dtype=src.dtype)
    src = jnp.concatenate([src, loop])
    dst = jnp.concatenate([dst, loop])
    deg = jnp.zeros((n,), h.dtype).at[dst].add(1.0)
    dinv = jnp.where(deg > 0, jax.lax.rsqrt(deg), 0.0)
    norm = dinv[src] * dinv[dst]
    out = jnp.zeros_like(h).at[dst].add(h[src] * norm[:, None])
    return out + b

def _bn(x, g, b, eps=1e-5):
    # eval-mode BatchNorm1d with running_mean=0, running_var=1
    return g * (x / jnp.sqrt(1.0 + eps)) + b

def reference(x, edge_index, W_enc, b_enc, W1, b1, g1, bt1, W2, b2, g2, bt2, W3, b3, g3, bt3, Wf1, bf1, gf1, btf1, Wf2, bf2):
    h = jax.nn.relu(x @ W_enc + b_enc)
    id1 = h
    h = jax.nn.relu(_bn(_gcn(h, edge_index, W1, b1), g1, bt1)) + id1
    id2 = h
    h = jax.nn.relu(_bn(_gcn(h, edge_index, W2, b2), g2, bt2)) + id2
    id3 = h
    h = jax.nn.relu(_bn(_gcn(h, edge_index, W3, b3), g3, bt3)) + id3
    h = jax.nn.relu(_bn(h @ Wf1 + bf1, gf1, btf1))
    # dropout is identity in eval mode
    return jnp.tanh(h @ Wf2 + bf2)

if __name__ == "__main__":
    import jax
    _d = setup_inputs()
    print(jax.jit(kernel)(*tuple(_d.values())))

</pallas_src>

<mosaic_0001>
#map = affine_map<(d0, d1) -> (0)>
module attributes {stable_mosaic.version = 14 : i64} {
  func.func @sc_gcn_degree(%arg0: i32, %arg1: i32, %arg2: memref<811008xi32, #tpu.memory_space<hbm>>, %arg3: memref<100096xf32, #tpu.memory_space<hbm>>, %arg4: memref<50048xf32, #tpu.memory_space<vmem_shared>>, %arg5: memref<6x128xi32, #tpu.memory_space<vmem>>, %arg6: memref<128xf32, #tpu.memory_space<vmem>>, %arg7: memref<3136xf32, #tpu.memory_space<vmem>>, %arg8: memref<!tpu.dma_semaphore, #tpu.memory_space<semaphore_mem>>, %arg9: memref<!tpu.dma_semaphore, #tpu.memory_space<semaphore_mem>>) attributes {dimension_semantics = [#tpu.dimension_semantics<core_parallel>, #tpu.dimension_semantics<subcore_parallel>], iteration_bounds = array<i64: 2, 16>, scalar_prefetch = 0 : i64, scratch_operands = 6 : i64, tpu.core_type = #tpu.core_type<sc_vector_subcore>, window_params = [{transform_indices = #map}, {transform_indices = #map}]} {
    %mul3A = arith.constant 16 : i32
    %mul3A_0 = arith.muli %arg0, %mul3A : i32
    %add3A = arith.addi %mul3A_0, %arg1 : i32
    %mul3A_1 = arith.constant 198 : i32
    %mul3A_2 = arith.muli %add3A, %mul3A_1 : i32
    %scan3A = arith.constant 0 : i32
    %scan3A_3 = arith.constant 0 : i32
    %scan3A_4 = arith.constant 196 : i32
    %scan3A_5 = arith.addi %scan3A_3, %scan3A_4 : i32
    %scan3A_6 = arith.constant 1 : i32
    %scan3A_7 = scf.for %scan3A_121 = %scan3A_3 to %scan3A_5 step %scan3A_6 iter_args(%scan3A_122 = %scan3A) -> (i32)  : i32 {
      %broadcast_in_dim3A = arith.constant 0.000000e+00 : f32
      %broadcast_in_dim3A_123 = vector.broadcast %broadcast_in_dim3A : f32 to vector<16xf32>
      %mul3A_124 = arith.constant 16 : i32
      %mul3A_125 = arith.muli %scan3A_121, %mul3A_124 : i32
      %swap3A = arith.index_cast %mul3A_125 : i32 to index
      %swap3A_126 = tpu.vector_load %arg7[%swap3A] {strides = array<i32>} : memref<3136xf32, #tpu.memory_space<vmem>>, vector<16xf32>,
      %swap3A_127 = vector.shape_cast %swap3A_126 : vector<16xf32> to vector<16xf32>
      %swap3A_128 = vector.shape_cast %broadcast_in_dim3A_123 : vector<16xf32> to vector<16xf32>
      tpu.vector_store %arg7[%swap3A], %swap3A_128 {strides = array<i32>} : memref<3136xf32, #tpu.memory_space<vmem>>, vector<16xf32>,
      %scan3A_129 = arith.constant 0 : i32
      scf.yield %scan3A_129 : i32
    }
    %scan3A_8 = arith.constant 196 : i32
    %scan3A_9 = arith.constant 0 : i32
    %scan3A_10 = arith.constant 0 : i32
    %scan3A_11 = arith.constant 8 : i32
    %scan3A_12 = arith.addi %scan3A_10, %scan3A_11 : i32
    %scan3A_13 = arith.constant 1 : i32
    %scan3A_14 = scf.for %scan3A_121 = %scan3A_10 to %scan3A_12 step %scan3A_13 iter_args(%scan3A_122 = %scan3A_9) -> (i32)  : i32 {
      %broadcast_in_dim3A = arith.constant 1.000000e+00 : f32
      %broadcast_in_dim3A_123 = vector.broadcast %broadcast_in_dim3A : f32 to vector<16xf32>
      %mul3A_124 = arith.constant 16 : i32
      %mul3A_125 = arith.muli %scan3A_121, %mul3A_124 : i32
      %swap3A = arith.index_cast %mul3A_125 : i32 to index
      %swap3A_126 = tpu.vector_load %arg6[%swap3A] {strides = array<i32>} : memref<128xf32, #tpu.memory_space<vmem>>, vector<16xf32>,
      %swap3A_127 = vector.shape_cast %swap3A_126 : vector<16xf32> to vector<16xf32>
      %swap3A_128 = vector.shape_cast %broadcast_in_dim3A_123 : vector<16xf32> to vector<16xf32>
      tpu.vector_store %arg6[%swap3A], %swap3A_128 {strides = array<i32>} : memref<128xf32, #tpu.memory_space<vmem>>, vector<16xf32>,
      %scan3A_129 = arith.constant 0 : i32
      scf.yield %scan3A_129 : i32
    }
    %scan3A_15 = arith.constant 8 : i32
    %mul3A_16 = arith.constant 3128 : i32
    %mul3A_17 = arith.muli %arg1, %mul3A_16 : i32
    "tpu.region"() ({
      %run_scoped3A = tpu.sem_alloc : memref<!tpu.dma_semaphore, #tpu.memory_space<semaphore_mem>>
      %dma_start3A_121 = arith.constant 0 : i32
      %dma_start3A_122 = tpu.memref_slice %arg7[%dma_start3A_121] : memref<3136xf32, #tpu.memory_space<vmem>> -> memref<3128xf32, #tpu.memory_space<vmem>>
      %dma_start3A_123 = tpu.memref_slice %arg4[%mul3A_17] : memref<50048xf32, #tpu.memory_space<vmem_shared>> -> memref<3128xf32, #tpu.memory_space<vmem_shared>>
      %dma_start3A_124 = tpu.memref_slice %arg4[%mul3A_17] : memref<50048xf32, #tpu.memory_space<vmem_shared>> -> memref<3128xf32, #tpu.memory_space<vmem_shared>>
      %dma_start3A_125 = arith.constant 0 : i32
      %dma_start3A_126 = tpu.memref_slice %arg7[%dma_start3A_125] : memref<3136xf32, #tpu.memory_space<vmem>> -> memref<3128xf32, #tpu.memory_space<vmem>>
      tpu.enqueue_dma source(%dma_start3A_126 : memref<3128xf32, #tpu.memory_space<vmem>>) target(%dma_start3A_124 : memref<3128xf32, #tpu.memory_space<vmem_shared>>) target_semaphore(%run_scoped3A : memref<!tpu.dma_semaphore, #tpu.memory_space<semaphore_mem>>)
      %dma_wait3A_127 = arith.constant 0 : i32
      %dma_wait3A_128 = tpu.memref_slice %arg7[%dma_wait3A_127] : memref<3136xf32, #tpu.memory_space<vmem>> -> memref<3128xf32, #tpu.memory_space<vmem>>
      %dma_wait3A_129 = tpu.memref_slice %arg4[%mul3A_17] : memref<50048xf32, #tpu.memory_space<vmem_shared>> -> memref<3128xf32, #tpu.memory_space<vmem_shared>>
      %dma_wait3A_130 = tpu.memref_slice %arg4[%mul3A_17] : memref<50048xf32, #tpu.memory_space<vmem_shared>> -> memref<3128xf32, #tpu.memory_space<vmem_shared>>
      %dma_wait3A_131 = arith.constant 0 : i32
      %dma_wait3A_132 = tpu.memref_slice %arg7[%dma_wait3A_131] : memref<3136xf32, #tpu.memory_space<vmem>> -> memref<3128xf32, #tpu.memory_space<vmem>>
      tpu.wait_dma2 semaphore(%run_scoped3A : memref<!tpu.dma_semaphore, #tpu.memory_space<semaphore_mem>>) src(%dma_wait3A_132 : memref<3128xf32, #tpu.memory_space<vmem>>) dst(%dma_wait3A_130 : memref<3128xf32, #tpu.memory_space<vmem_shared>>)
      tpu.yield
    }) : () -> ()
    %barrier3A = arith.constant 0 : index
    tpu.barrier barrier_id(%barrier3A)
    %add3A_18 = arith.constant 0 : i32
    %add3A_19 = arith.addi %mul3A_2, %add3A_18 : i32
    %add3A_20 = arith.constant 0 : i32
    %add3A_21 = arith.addi %add3A_19, %add3A_20 : i32
    %mul3A_22 = arith.constant 128 : i32
    %mul3A_23 = arith.muli %add3A_21, %mul3A_22 : i32
    %dma_start3A = arith.constant 0 : i32
    %dma_start3A_24 = arith.constant 0 : i32
    %dma_start3A_25 = tpu.memref_slice %arg5[%dma_start3A, %dma_start3A_24] : memref<6x128xi32, #tpu.memory_space<vmem>> -> memref<1x128xi32, #tpu.memory_space<vmem>>
    %dma_start3A_26 = tpu.memref_squeeze %dma_start3A_25 : memref<1x128xi32, #tpu.memory_space<vmem>> -> memref<128xi32, #tpu.memory_space<vmem>>
    %dma_start3A_27 = tpu.memref_slice %arg2[%mul3A_23] : memref<811008xi32, #tpu.memory_space<hbm>> -> memref<128xi32, #tpu.memory_space<hbm>>
    %dma_start3A_28 = arith.constant 0 : i32
    %dma_start3A_29 = tpu.memref_slice %arg5[%dma_start3A, %dma_start3A_28] : memref<6x128xi32, #tpu.memory_space<vmem>> -> memref<1x128xi32, #tpu.memory_space<vmem>>
    %dma_start3A_30 = tpu.memref_squeeze %dma_start3A_29 : memref<1x128xi32, #tpu.memory_space<vmem>> -> memref<128xi32, #tpu.memory_space<vmem>>
    %dma_start3A_31 = tpu.memref_slice %arg2[%mul3A_23] : memref<811008xi32, #tpu.memory_space<hbm>> -> memref<128xi32, #tpu.memory_space<hbm>>
    tpu.enqueue_dma source(%dma_start3A_31 : memref<128xi32, #tpu.memory_space<hbm>>) target(%dma_start3A_30 : memref<128xi32, #tpu.memory_space<vmem>>) target_semaphore(%arg8 : memref<!tpu.dma_semaphore, #tpu.memory_space<semaphore_mem>>)
    %add3A_32 = arith.constant 0 : i32
    %add3A_33 = arith.addi %mul3A_2, %add3A_32 : i32
    %add3A_34 = arith.constant 1 : i32
    %add3A_35 = arith.addi %add3A_33, %add3A_34 : i32
    %mul3A_36 = arith.constant 128 : i32
    %mul3A_37 = arith.muli %add3A_35, %mul3A_36 : i32
    %dma_start3A_38 = arith.constant 1 : i32
    %dma_start3A_39 = arith.constant 0 : i32
    %dma_start3A_40 = tpu.memref_slice %arg5[%dma_start3A_38, %dma_start3A_39] : memref<6x128xi32, #tpu.memory_space<vmem>> -> memref<1x128xi32, #tpu.memory_space<vmem>>
    %dma_start3A_41 = tpu.memref_squeeze %dma_start3A_40 : memref<1x128xi32, #tpu.memory_space<vmem>> -> memref<128xi32, #tpu.memory_space<vmem>>
    %dma_start3A_42 = tpu.memref_slice %arg2[%mul3A_37] : memref<811008xi32, #tpu.memory_space<hbm>> -> memref<128xi32, #tpu.memory_space<hbm>>
    %dma_start3A_43 = arith.constant 0 : i32
    %dma_start3A_44 = tpu.memref_slice %arg5[%dma_start3A_38, %dma_start3A_43] : memref<6x128xi32, #tpu.memory_space<vmem>> -> memref<1x128xi32, #tpu.memory_space<vmem>>
    %dma_start3A_45 = tpu.memref_squeeze %dma_start3A_44 : memref<1x128xi32, #tpu.memory_space<vmem>> -> memref<128xi32, #tpu.memory_space<vmem>>
    %dma_start3A_46 = tpu.memref_slice %arg2[%mul3A_37] : memref<811008xi32, #tpu.memory_space<hbm>> -> memref<128xi32, #tpu.memory_space<hbm>>
    tpu.enqueue_dma source(%dma_start3A_46 : memref<128xi32, #tpu.memory_space<hbm>>) target(%dma_start3A_45 : memref<128xi32, #tpu.memory_space<vmem>>) target_semaphore(%arg8 : memref<!tpu.dma_semaphore, #tpu.memory_space<semaphore_mem>>)
    %add3A_47 = arith.constant 0 : i32
    %add3A_48 = arith.addi %mul3A_2, %add3A_47 : i32
    %add3A_49 = arith.constant 2 : i32
    %add3A_50 = arith.addi %add3A_48, %add3A_49 : i32
    %mul3A_51 = arith.constant 128 : i32
    %mul3A_52 = arith.muli %add3A_50, %mul3A_51 : i32
    %dma_start3A_53 = arith.constant 2 : i32
    %dma_start3A_54 = arith.constant 0 : i32
    %dma_start3A_55 = tpu.memref_slice %arg5[%dma_start3A_53, %dma_start3A_54] : memref<6x128xi32, #tpu.memory_space<vmem>> -> memref<1x128xi32, #tpu.memory_space<vmem>>
    %dma_start3A_56 = tpu.memref_squeeze %dma_start3A_55 : memref<1x128xi32, #tpu.memory_space<vmem>> -> memref<128xi32, #tpu.memory_space<vmem>>
    %dma_start3A_57 = tpu.memref_slice %arg2[%mul3A_52] : memref<811008xi32, #tpu.memory_space<hbm>> -> memref<128xi32, #tpu.memory_space<hbm>>
    %dma_start3A_58 = arith.constant 0 : i32
    %dma_start3A_59 = tpu.memref_slice %arg5[%dma_start3A_53, %dma_start3A_58] : memref<6x128xi32, #tpu.memory_space<vmem>> -> memref<1x128xi32, #tpu.memory_space<vmem>>
    %dma_start3A_60 = tpu.memref_squeeze %dma_start3A_59 : memref<1x128xi32, #tpu.memory_space<vmem>> -> memref<128xi32, #tpu.memory_space<vmem>>
    %dma_start3A_61 = tpu.memref_slice %arg2[%mul3A_52] : memref<811008xi32, #tpu.memory_space<hbm>> -> memref<128xi32, #tpu.memory_space<hbm>>
    tpu.enqueue_dma source(%dma_start3A_61 : memref<128xi32, #tpu.memory_space<hbm>>) target(%dma_start3A_60 : memref<128xi32, #tpu.memory_space<vmem>>) target_semaphore(%arg8 : memref<!tpu.dma_semaphore, #tpu.memory_space<semaphore_mem>>)
    %dma_wait3A = arith.constant 0 : i32
    %dma_wait3A_62 = arith.constant 0 : i32
    %dma_wait3A_63 = tpu.memref_slice %arg5[%dma_wait3A, %dma_wait3A_62] : memref<6x128xi32, #tpu.memory_space<vmem>> -> memref<1x128xi32, #tpu.memory_space<vmem>>
    %dma_wait3A_64 = tpu.memref_squeeze %dma_wait3A_63 : memref<1x128xi32, #tpu.memory_space<vmem>> -> memref<128xi32, #tpu.memory_space<vmem>>
    %dma_wait3A_65 = arith.constant 0 : i32
    %dma_wait3A_66 = tpu.memref_slice %arg2[%dma_wait3A_65] : memref<811008xi32, #tpu.memory_space<hbm>> -> memref<128xi32, #tpu.memory_space<hbm>>
    %dma_wait3A_67 = arith.constant 0 : i32
    %dma_wait3A_68 = tpu.memref_slice %arg5[%dma_wait3A, %dma_wait3A_67] : memref<6x128xi32, #tpu.memory_space<vmem>> -> memref<1x128xi32, #tpu.memory_space<vmem>>
    %dma_wait3A_69 = tpu.memref_squeeze %dma_wait3A_68 : memref<1x128xi32, #tpu.memory_space<vmem>> -> memref<128xi32, #tpu.memory_space<vmem>>
    %dma_wait3A_70 = arith.constant 0 : i32
    %dma_wait3A_71 = tpu.memref_slice %arg2[%dma_wait3A_70] : memref<811008xi32, #tpu.memory_space<hbm>> -> memref<128xi32, #tpu.memory_space<hbm>>
    tpu.wait_dma2 semaphore(%arg8 : memref<!tpu.dma_semaphore, #tpu.memory_space<semaphore_mem>>) src(%dma_wait3A_71 : memref<128xi32, #tpu.memory_space<hbm>>) dst(%dma_wait3A_69 : memref<128xi32, #tpu.memory_space<vmem>>)
    %dma_wait3A_72 = arith.constant 1 : i32
    %dma_wait3A_73 = arith.constant 0 : i32
    %dma_wait3A_74 = tpu.memref_slice %arg5[%dma_wait3A_72, %dma_wait3A_73] : memref<6x128xi32, #tpu.memory_space<vmem>> -> memref<1x128xi32, #tpu.memory_space<vmem>>
    %dma_wait3A_75 = tpu.memref_squeeze %dma_wait3A_74 : memref<1x128xi32, #tpu.memory_space<vmem>> -> memref<128xi32, #tpu.memory_space<vmem>>
    %dma_wait3A_76 = arith.constant 0 : i32
    %dma_wait3A_77 = tpu.memref_slice %arg2[%dma_wait3A_76] : memref<811008xi32, #tpu.memory_space<hbm>> -> memref<128xi32, #tpu.memory_space<hbm>>
    %dma_wait3A_78 = arith.constant 0 : i32
    %dma_wait3A_79 = tpu.memref_slice %arg5[%dma_wait3A_72, %dma_wait3A_78] : memref<6x128xi32, #tpu.memory_space<vmem>> -> memref<1x128xi32, #tpu.memory_space<vmem>>
    %dma_wait3A_80 = tpu.memref_squeeze %dma_wait3A_79 : memref<1x128xi32, #tpu.memory_space<vmem>> -> memref<128xi32, #tpu.memory_space<vmem>>
    %dma_wait3A_81 = arith.constant 0 : i32
    %dma_wait3A_82 = tpu.memref_slice %arg2[%dma_wait3A_81] : memref<811008xi32, #tpu.memory_space<hbm>> -> memref<128xi32, #tpu.memory_space<hbm>>
    tpu.wait_dma2 semaphore(%arg8 : memref<!tpu.dma_semaphore, #tpu.memory_space<semaphore_mem>>) src(%dma_wait3A_82 : memref<128xi32, #tpu.memory_space<hbm>>) dst(%dma_wait3A_80 : memref<128xi32, #tpu.memory_space<vmem>>)
    %dma_wait3A_83 = arith.constant 2 : i32
    %dma_wait3A_84 = arith.constant 0 : i32
    %dma_wait3A_85 = tpu.memref_slice %arg5[%dma_wait3A_83, %dma_wait3A_84] : memref<6x128xi32, #tpu.memory_space<vmem>> -> memref<1x128xi32, #tpu.memory_space<vmem>>
    %dma_wait3A_86 = tpu.memref_squeeze %dma_wait3A_85 : memref<1x128xi32, #tpu.memory_space<vmem>> -> memref<128xi32, #tpu.memory_space<vmem>>
    %dma_wait3A_87 = arith.constant 0 : i32
    %dma_wait3A_88 = tpu.memref_slice %arg2[%dma_wait3A_87] : memref<811008xi32, #tpu.memory_space<hbm>> -> memref<128xi32, #tpu.memory_space<hbm>>
    %dma_wait3A_89 = arith.constant 0 : i32
    %dma_wait3A_90 = tpu.memref_slice %arg5[%dma_wait3A_83, %dma_wait3A_89] : memref<6x128xi32, #tpu.memory_space<vmem>> -> memref<1x128xi32, #tpu.memory_space<vmem>>
    %dma_wait3A_91 = tpu.memref_squeeze %dma_wait3A_90 : memref<1x128xi32, #tpu.memory_space<vmem>> -> memref<128xi32, #tpu.memory_space<vmem>>
    %dma_wait3A_92 = arith.constant 0 : i32
    %dma_wait3A_93 = tpu.memref_slice %arg2[%dma_wait3A_92] : memref<811008xi32, #tpu.memory_space<hbm>> -> memref<128xi32, #tpu.memory_space<hbm>>
    tpu.wait_dma2 semaphore(%arg8 : memref<!tpu.dma_semaphore, #tpu.memory_space<semaphore_mem>>) src(%dma_wait3A_93 : memref<128xi32, #tpu.memory_space<hbm>>) dst(%dma_wait3A_91 : memref<128xi32, #tpu.memory_space<vmem>>)
    %scan3A_94 = arith.constant 0 : i32
    %scan3A_95 = arith.constant 0 : i32
    %scan3A_96 = arith.constant 66 : i32
    %scan3A_97 = arith.addi %scan3A_95, %scan3A_96 : i32
    %scan3A_98 = arith.constant 1 : i32
    %scan3A_99 = scf.for %scan3A_121 = %scan3A_95 to %scan3A_97 step %scan3A_98 iter_args(%scan3A_122 = %scan3A_94) -> (i32)  : i32 {
      %jit3A = arith.constant 2 : i32
      %eq3A = arith.constant 0 : i32
      %eq3A_123 = arith.cmpi eq, %jit3A, %eq3A : i32
      %jit3A_124 = arith.constant 1 : i32
      %select_n3A = arith.select %eq3A_123, %jit3A_124, %jit3A : i32
      %rem3A = arith.remsi %scan3A_121, %select_n3A : i32
      %ne3A = arith.constant 0 : i32
      %ne3A_125 = arith.cmpi ne, %rem3A, %ne3A : i32
      %lt3A = arith.constant 0 : i32
      %lt3A_126 = arith.cmpi slt, %rem3A, %lt3A : i32
      %lt3A_127 = arith.constant 0 : i32
      %lt3A_128 = arith.cmpi slt, %select_n3A, %lt3A_127 : i32
      %ne3A_129 = arith.xori %lt3A_126, %lt3A_128 : i1
      %and3A = arith.andi %ne3A_129, %ne3A_125 : i1
      %add3A_130 = arith.addi %rem3A, %select_n3A : i32
      %select_n3A_131 = arith.select %and3A, %add3A_130, %rem3A : i32
      %mul3A_132 = arith.constant 3 : i32
      %mul3A_133 = arith.muli %select_n3A_131, %mul3A_132 : i32
      %sub3A = arith.constant 3 : i32
      %sub3A_134 = arith.subi %sub3A, %mul3A_133 : i32
      %gt3A = arith.constant 0 : i32
      %gt3A_135 = arith.cmpi sgt, %scan3A_121, %gt3A : i32
      %convert_element_type3A = arith.extui %gt3A_135 : i1 to i32
      %cond3A = arith.constant 0 : i32
      %cond3A_136 = arith.cmpi ne, %convert_element_type3A, %cond3A : i32
      scf.if %cond3A_136 {
        %dma_wait3A_249 = arith.constant 0 : i32
        %dma_wait3A_250 = tpu.memref_slice %arg4[%dma_wait3A_249] : memref<50048xf32, #tpu.memory_space<vmem_shared>> -> memref<128xf32, #tpu.memory_space<vmem_shared>>
        %dma_wait3A_251 = arith.constant 0 : i32
        %dma_wait3A_252 = tpu.memref_slice %arg4[%dma_wait3A_251] : memref<50048xf32, #tpu.memory_space<vmem_shared>> -> memref<128xf32, #tpu.memory_space<vmem_shared>>
        tpu.wait_dma2 semaphore(%arg9 : memref<!tpu.dma_semaphore, #tpu.memory_space<semaphore_mem>>) src(%arg6 : memref<128xf32, #tpu.memory_space<vmem>>) dst(%dma_wait3A_252 : memref<128xf32, #tpu.memory_space<vmem_shared>>)
        %dma_wait3A_253 = arith.constant 0 : i32
        %dma_wait3A_254 = tpu.memref_slice %arg4[%dma_wait3A_253] : memref<50048xf32, #tpu.memory_space<vmem_shared>> -> memref<128xf32, #tpu.memory_space<vmem_shared>>
        %dma_wait3A_255 = arith.constant 0 : i32
        %dma_wait3A_256 = tpu.memref_slice %arg4[%dma_wait3A_255] : memref<50048xf32, #tpu.memory_space<vmem_shared>> -> memref<128xf32, #tpu.memory_space<vmem_shared>>
        tpu.wait_dma2 semaphore(%arg9 : memref<!tpu.dma_semaphore, #tpu.memory_space<semaphore_mem>>) src(%arg6 : memref<128xf32, #tpu.memory_space<vmem>>) dst(%dma_wait3A_256 : memref<128xf32, #tpu.memory_space<vmem_shared>>)
        %dma_wait3A_257 = arith.constant 0 : i32
        %dma_wait3A_258 = tpu.memref_slice %arg4[%dma_wait3A_257] : memref<50048xf32, #tpu.memory_space<vmem_shared>> -> memref<128xf32, #tpu.memory_space<vmem_shared>>
        %dma_wait3A_259 = arith.constant 0 : i32
        %dma_wait3A_260 = tpu.memref_slice %arg4[%dma_wait3A_259] : memref<50048xf32, #tpu.memory_space<vmem_shared>> -> memref<128xf32, #tpu.memory_space<vmem_shared>>
        tpu.wait_dma2 semaphore(%arg9 : memref<!tpu.dma_semaphore, #tpu.memory_space<semaphore_mem>>) src(%arg6 : memref<128xf32, #tpu.memory_space<vmem>>) dst(%dma_wait3A_260 : memref<128xf32, #tpu.memory_space<vmem_shared>>)
      } else {
      }
      %add3A_137 = arith.constant 0 : i32
      %add3A_138 = arith.addi %mul3A_133, %add3A_137 : i32
      %dma_start3A_139 = arith.constant 0 : i32
      %dma_start3A_140 = tpu.memref_slice %arg5[%add3A_138, %dma_start3A_139] : memref<6x128xi32, #tpu.memory_space<vmem>> -> memref<1x128xi32, #tpu.memory_space<vmem>>
      %dma_start3A_141 = tpu.memref_squeeze %dma_start3A_140 : memref<1x128xi32, #tpu.memory_space<vmem>> -> memref<128xi32, #tpu.memory_space<vmem>>
      %dma_start3A_142 = arith.constant 0 : i32
      %dma_start3A_143 = tpu.memref_slice %arg4[%dma_start3A_142] : memref<50048xf32, #tpu.memory_space<vmem_shared>> -> memref<50048xf32, #tpu.memory_space<vmem_shared>>
      tpu.enqueue_indirect_dma source(%arg6 : memref<128xf32, #tpu.memory_space<vmem>>) target(%dma_start3A_143 : memref<50048xf32, #tpu.memory_space<vmem_shared>>) offsets(%dma_start3A_141 : memref<128xi32, #tpu.memory_space<vmem>>) semaphore(%arg9 : memref<!tpu.dma_semaphore, #tpu.memory_space<semaphore_mem>>) {add = true}
      %add3A_144 = arith.constant 1 : i32
      %add3A_145 = arith.addi %mul3A_133, %add3A_144 : i32
      %dma_start3A_146 = arith.constant 0 : i32
      %dma_start3A_147 = tpu.memref_slice %arg5[%add3A_145, %dma_start3A_146] : memref<6x128xi32, #tpu.memory_space<vmem>> -> memref<1x128xi32, #tpu.memory_space<vmem>>
      %dma_start3A_148 = tpu.memref_squeeze %dma_start3A_147 : memref<1x128xi32, #tpu.memory_space<vmem>> -> memref<128xi32, #tpu.memory_space<vmem>>
      %dma_start3A_149 = arith.constant 0 : i32
      %dma_start3A_150 = tpu.memref_slice %arg4[%dma_start3A_149] : memref<50048xf32, #tpu.memory_space<vmem_shared>> -> memref<50048xf32, #tpu.memory_space<vmem_shared>>
      tpu.enqueue_indirect_dma source(%arg6 : memref<128xf32, #tpu.memory_space<vmem>>) target(%dma_start3A_150 : memref<50048xf32, #tpu.memory_space<vmem_shared>>) offsets(%dma_start3A_148 : memref<128xi32, #tpu.memory_space<vmem>>) semaphore(%arg9 : memref<!tpu.dma_semaphore, #tpu.memory_space<semaphore_mem>>) {add = true}
      %add3A_151 = arith.constant 2 : i32
      %add3A_152 = arith.addi %mul3A_133, %add3A_151 : i32
      %dma_start3A_153 = arith.constant 0 : i32
      %dma_start3A_154 = tpu.memref_slice %arg5[%add3A_152, %dma_start3A_153] : memref<6x128xi32, #tpu.memory_space<vmem>> -> memref<1x128xi32, #tpu.memory_space<vmem>>
      %dma_start3A_155 = tpu.memref_squeeze %dma_start3A_154 : memref<1x128xi32, #tpu.memory_space<vmem>> -> memref<128xi32, #tpu.memory_space<vmem>>
      %dma_start3A_156 = arith.constant 0 : i32
      %dma_start3A_157 = tpu.memref_slice %arg4[%dma_start3A_156] : memref<50048xf32, #tpu.memory_space<vmem_shared>> -> memref<50048xf32, #tpu.memory_space<vmem_shared>>
      tpu.enqueue_indirect_dma source(%arg6 : memref<128xf32, #tpu.memory_space<vmem>>) target(%dma_start3A_157 : memref<50048xf32, #tpu.memory_space<vmem_shared>>) offsets(%dma_start3A_155 : memref<128xi32, #tpu.memory_space<vmem>>) semaphore(%arg9 : memref<!tpu.dma_semaphore, #tpu.memory_space<semaphore_mem>>) {add = true}
      %add3A_158 = arith.constant 1 : i32
      %add3A_159 = arith.addi %scan3A_121, %add3A_158 : i32
      %min3A = arith.constant 65 : i32
      %min3A_160 = arith.minsi %add3A_159, %min3A : i32
      %mul3A_161 = arith.constant 3 : i32
      %mul3A_162 = arith.muli %min3A_160, %mul3A_161 : i32
      %add3A_163 = arith.addi %mul3A_2, %mul3A_162 : i32
      %add3A_164 = arith.constant 0 : i32
      %add3A_165 = arith.addi %add3A_163, %add3A_164 : i32
      %mul3A_166 = arith.constant 128 : i32
      %mul3A_167 = arith.muli %add3A_165, %mul3A_166 : i32
      %add3A_168 = arith.constant 0 : i32
      %add3A_169 = arith.addi %sub3A_134, %add3A_168 : i32
      %dma_start3A_170 = arith.constant 0 : i32
      %dma_start3A_171 = tpu.memref_slice %arg5[%add3A_169, %dma_start3A_170] : memref<6x128xi32, #tpu.memory_space<vmem>> -> memref<1x128xi32, #tpu.memory_space<vmem>>
      %dma_start3A_172 = tpu.memref_squeeze %dma_start3A_171 : memref<1x128xi32, #tpu.memory_space<vmem>> -> memref<128xi32, #tpu.memory_space<vmem>>
      %dma_start3A_173 = tpu.memref_slice %arg2[%mul3A_167] : memref<811008xi32, #tpu.memory_space<hbm>> -> memref<128xi32, #tpu.memory_space<hbm>>
      %dma_start3A_174 = arith.constant 0 : i32
      %dma_start3A_175 = tpu.memref_slice %arg5[%add3A_169, %dma_start3A_174] : memref<6x128xi32, #tpu.memory_space<vmem>> -> memref<1x128xi32, #tpu.memory_space<vmem>>
      %dma_start3A_176 = tpu.memref_squeeze %dma_start3A_175 : memref<1x128xi32, #tpu.memory_space<vmem>> -> memref<128xi32, #tpu.memory_space<vmem>>
      %dma_start3A_177 = tpu.memref_slice %arg2[%mul3A_167] : memref<811008xi32, #tpu.memory_space<hbm>> -> memref<128xi32, #tpu.memory_space<hbm>>
      tpu.enqueue_dma source(%dma_start3A_177 : memref<128xi32, #tpu.memory_space<hbm>>) target(%dma_start3A_176 : memref<128xi32, #tpu.memory_space<vmem>>) target_semaphore(%arg8 : memref<!tpu.dma_semaphore, #tpu.memory_space<semaphore_mem>>)
      %mul3A_178 = arith.constant 3 : i32
      %mul3A_179 = arith.muli %min3A_160, %mul3A_178 : i32
      %add3A_180 = arith.addi %mul3A_2, %mul3A_179 : i32
      %add3A_181 = arith.constant 1 : i32
      %add3A_182 = arith.addi %add3A_180, %add3A_181 : i32
      %mul3A_183 = arith.constant 128 : i32
      %mul3A_184 = arith.muli %add3A_182, %mul3A_183 : i32
      %add3A_185 = arith.constant 1 : i32
      %add3A_186 = arith.addi %sub3A_134, %add3A_185 : i32
      %dma_start3A_187 = arith.constant 0 : i32
      %dma_start3A_188 = tpu.memref_slice %arg5[%add3A_186, %dma_start3A_187] : memref<6x128xi32, #tpu.memory_space<vmem>> -> memref<1x128xi32, #tpu.memory_space<vmem>>
      %dma_start3A_189 = tpu.memref_squeeze %dma_start3A_188 : memref<1x128xi32, #tpu.memory_space<vmem>> -> memref<128xi32, #tpu.memory_space<vmem>>
      %dma_start3A_190 = tpu.memref_slice %arg2[%mul3A_184] : memref<811008xi32, #tpu.memory_space<hbm>> -> memref<128xi32, #tpu.memory_space<hbm>>
      %dma_start3A_191 = arith.constant 0 : i32
      %dma_start3A_192 = tpu.memref_slice %arg5[%add3A_186, %dma_start3A_191] : memref<6x128xi32, #tpu.memory_space<vmem>> -> memref<1x128xi32, #tpu.memory_space<vmem>>
      %dma_start3A_193 = tpu.memref_squeeze %dma_start3A_192 : memref<1x128xi32, #tpu.memory_space<vmem>> -> memref<128xi32, #tpu.memory_space<vmem>>
      %dma_start3A_194 = tpu.memref_slice %arg2[%mul3A_184] : memref<811008xi32, #tpu.memory_space<hbm>> -> memref<128xi32, #tpu.memory_space<hbm>>
      tpu.enqueue_dma source(%dma_start3A_194 : memref<128xi32, #tpu.memory_space<hbm>>) target(%dma_start3A_193 : memref<128xi32, #tpu.memory_space<vmem>>) target_semaphore(%arg8 : memref<!tpu.dma_semaphore, #tpu.memory_space<semaphore_mem>>)
      %mul3A_195 = arith.constant 3 : i32
      %mul3A_196 = arith.muli %min3A_160, %mul3A_195 : i32
      %add3A_197 = arith.addi %mul3A_2, %mul3A_196 : i32
      %add3A_198 = arith.constant 2 : i32
      %add3A_199 = arith.addi %add3A_197, %add3A_198 : i32
      %mul3A_200 = arith.constant 128 : i32
      %mul3A_201 = arith.muli %add3A_199, %mul3A_200 : i32
      %add3A_202 = arith.constant 2 : i32
      %add3A_203 = arith.addi %sub3A_134, %add3A_202 : i32
      %dma_start3A_204 = arith.constant 0 : i32
      %dma_start3A_205 = tpu.memref_slice %arg5[%add3A_203, %dma_start3A_204] : memref<6x128xi32, #tpu.memory_space<vmem>> -> memref<1x128xi32, #tpu.memory_space<vmem>>
      %dma_start3A_206 = tpu.memref_squeeze %dma_start3A_205 : memref<1x128xi32, #tpu.memory_space<vmem>> -> memref<128xi32, #tpu.memory_space<vmem>>
      %dma_start3A_207 = tpu.memref_slice %arg2[%mul3A_201] : memref<811008xi32, #tpu.memory_space<hbm>> -> memref<128xi32, #tpu.memory_space<hbm>>
      %dma_start3A_208 = arith.constant 0 : i32
      %dma_start3A_209 = tpu.memref_slice %arg5[%add3A_203, %dma_start3A_208] : memref<6x128xi32, #tpu.memory_space<vmem>> -> memref<1x128xi32, #tpu.memory_space<vmem>>
      %dma_start3A_210 = tpu.memref_squeeze %dma_start3A_209 : memref<1x128xi32, #tpu.memory_space<vmem>> -> memref<128xi32, #tpu.memory_space<vmem>>
      %dma_start3A_211 = tpu.memref_slice %arg2[%mul3A_201] : memref<811008xi32, #tpu.memory_space<hbm>> -> memref<128xi32, #tpu.memory_space<hbm>>
      tpu.enqueue_dma source(%dma_start3A_211 : memref<128xi32, #tpu.memory_space<hbm>>) target(%dma_start3A_210 : memref<128xi32, #tpu.memory_space<vmem>>) target_semaphore(%arg8 : memref<!tpu.dma_semaphore, #tpu.memory_space<semaphore_mem>>)
      %add3A_212 = arith.constant 0 : i32
      %add3A_213 = arith.addi %sub3A_134, %add3A_212 : i32
      %dma_wait3A_214 = arith.constant 0 : i32
      %dma_wait3A_215 = tpu.memref_slice %arg5[%add3A_213, %dma_wait3A_214] : memref<6x128xi32, #tpu.memory_space<vmem>> -> memref<1x128xi32, #tpu.memory_space<vmem>>
      %dma_wait3A_216 = tpu.memref_squeeze %dma_wait3A_215 : memref<1x128xi32, #tpu.memory_space<vmem>> -> memref<128xi32, #tpu.memory_space<vmem>>
      %dma_wait3A_217 = arith.constant 0 : i32
      %dma_wait3A_218 = tpu.memref_slice %arg2[%dma_wait3A_217] : memref<811008xi32, #tpu.memory_space<hbm>> -> memref<128xi32, #tpu.memory_space<hbm>>
      %dma_wait3A_219 = arith.constant 0 : i32
      %dma_wait3A_220 = tpu.memref_slice %arg5[%add3A_213, %dma_wait3A_219] : memref<6x128xi32, #tpu.memory_space<vmem>> -> memref<1x128xi32, #tpu.memory_space<vmem>>
      %dma_wait3A_221 = tpu.memref_squeeze %dma_wait3A_220 : memref<1x128xi32, #tpu.memory_space<vmem>> -> memref<128xi32, #tpu.memory_space<vmem>>
      %dma_wait3A_222 = arith.constant 0 : i32
      %dma_wait3A_223 = tpu.memref_slice %arg2[%dma_wait3A_222] : memref<811008xi32, #tpu.memory_space<hbm>> -> memref<128xi32, #tpu.memory_space<hbm>>
      tpu.wait_dma2 semaphore(%arg8 : memref<!tpu.dma_semaphore, #tpu.memory_space<semaphore_mem>>) src(%dma_wait3A_223 : memref<128xi32, #tpu.memory_space<hbm>>) dst(%dma_wait3A_221 : memref<128xi32, #tpu.memory_space<vmem>>)
      %add3A_224 = arith.constant 1 : i32
      %add3A_225 = arith.addi %sub3A_134, %add3A_224 : i32
      %dma_wait3A_226 = arith.constant 0 : i32
      %dma_wait3A_227 = tpu.memref_slice %arg5[%add3A_225, %dma_wait3A_226] : memref<6x128xi32, #tpu.memory_space<vmem>> -> memref<1x128xi32, #tpu.memory_space<vmem>>
      %dma_wait3A_228 = tpu.memref_squeeze %dma_wait3A_227 : memref<1x128xi32, #tpu.memory_space<vmem>> -> memref<128xi32, #tpu.memory_space<vmem>>
      %dma_wait3A_229 = arith.constant 0 : i32
      %dma_wait3A_230 = tpu.memref_slice %arg2[%dma_wait3A_229] : memref<811008xi32, #tpu.memory_space<hbm>> -> memref<128xi32, #tpu.memory_space<hbm>>
      %dma_wait3A_231 = arith.constant 0 : i32
      %dma_wait3A_232 = tpu.memref_slice %arg5[%add3A_225, %dma_wait3A_231] : memref<6x128xi32, #tpu.memory_space<vmem>> -> memref<1x128xi32, #tpu.memory_space<vmem>>
      %dma_wait3A_233 = tpu.memref_squeeze %dma_wait3A_232 : memref<1x128xi32, #tpu.memory_space<vmem>> -> memref<128xi32, #tpu.memory_space<vmem>>
      %dma_wait3A_234 = arith.constant 0 : i32
      %dma_wait3A_235 = tpu.memref_slice %arg2[%dma_wait3A_234] : memref<811008xi32, #tpu.memory_space<hbm>> -> memref<128xi32, #tpu.memory_space<hbm>>
      tpu.wait_dma2 semaphore(%arg8 : memref<!tpu.dma_semaphore, #tpu.memory_space<semaphore_mem>>) src(%dma_wait3A_235 : memref<128xi32, #tpu.memory_space<hbm>>) dst(%dma_wait3A_233 : memref<128xi32, #tpu.memory_space<vmem>>)
      %add3A_236 = arith.constant 2 : i32
      %add3A_237 = arith.addi %sub3A_134, %add3A_236 : i32
      %dma_wait3A_238 = arith.constant 0 : i32
      %dma_wait3A_239 = tpu.memref_slice %arg5[%add3A_237, %dma_wait3A_238] : memref<6x128xi32, #tpu.memory_space<vmem>> -> memref<1x128xi32, #tpu.memory_space<vmem>>
      %dma_wait3A_240 = tpu.memref_squeeze %dma_wait3A_239 : memref<1x128xi32, #tpu.memory_space<vmem>> -> memref<128xi32, #tpu.memory_space<vmem>>
      %dma_wait3A_241 = arith.constant 0 : i32
      %dma_wait3A_242 = tpu.memref_slice %arg2[%dma_wait3A_241] : memref<811008xi32, #tpu.memory_space<hbm>> -> memref<128xi32, #tpu.memory_space<hbm>>
      %dma_wait3A_243 = arith.constant 0 : i32
      %dma_wait3A_244 = tpu.memref_slice %arg5[%add3A_237, %dma_wait3A_243] : memref<6x128xi32, #tpu.memory_space<vmem>> -> memref<1x128xi32, #tpu.memory_space<vmem>>
      %dma_wait3A_245 = tpu.memref_squeeze %dma_wait3A_244 : memref<1x128xi32, #tpu.memory_space<vmem>> -> memref<128xi32, #tpu.memory_space<vmem>>
      %dma_wait3A_246 = arith.constant 0 : i32
      %dma_wait3A_247 = tpu.memref_slice %arg2[%dma_wait3A_246] : memref<811008xi32, #tpu.memory_space<hbm>> -> memref<128xi32, #tpu.memory_space<hbm>>
      tpu.wait_dma2 semaphore(%arg8 : memref<!tpu.dma_semaphore, #tpu.memory_space<semaphore_mem>>) src(%dma_wait3A_247 : memref<128xi32, #tpu.memory_space<hbm>>) dst(%dma_wait3A_245 : memref<128xi32, #tpu.memory_space<vmem>>)
      %scan3A_248 = arith.constant 0 : i32
      scf.yield %scan3A_248 : i32
    }
    %scan3A_100 = arith.constant 66 : i32
    %dma_wait3A_101 = arith.constant 0 : i32
    %dma_wait3A_102 = tpu.memref_slice %arg4[%dma_wait3A_101] : memref<50048xf32, #tpu.memory_space<vmem_shared>> -> memref<128xf32, #tpu.memory_space<vmem_shared>>
    %dma_wait3A_103 = arith.constant 0 : i32
    %dma_wait3A_104 = tpu.memref_slice %arg4[%dma_wait3A_103] : memref<50048xf32, #tpu.memory_space<vmem_shared>> -> memref<128xf32, #tpu.memory_space<vmem_shared>>
    tpu.wait_dma2 semaphore(%arg9 : memref<!tpu.dma_semaphore, #tpu.memory_space<semaphore_mem>>) src(%arg6 : memref<128xf32, #tpu.memory_space<vmem>>) dst(%dma_wait3A_104 : memref<128xf32, #tpu.memory_space<vmem_shared>>)
    %dma_wait3A_105 = arith.constant 0 : i32
    %dma_wait3A_106 = tpu.memref_slice %arg4[%dma_wait3A_105] : memref<50048xf32, #tpu.memory_space<vmem_shared>> -> memref<128xf32, #tpu.memory_space<vmem_shared>>
    %dma_wait3A_107 = arith.constant 0 : i32
    %dma_wait3A_108 = tpu.memref_slice %arg4[%dma_wait3A_107] : memref<50048xf32, #tpu.memory_space<vmem_shared>> -> memref<128xf32, #tpu.memory_space<vmem_shared>>
    tpu.wait_dma2 semaphore(%arg9 : memref<!tpu.dma_semaphore, #tpu.memory_space<semaphore_mem>>) src(%arg6 : memref<128xf32, #tpu.memory_space<vmem>>) dst(%dma_wait3A_108 : memref<128xf32, #tpu.memory_space<vmem_shared>>)
    %dma_wait3A_109 = arith.constant 0 : i32
    %dma_wait3A_110 = tpu.memref_slice %arg4[%dma_wait3A_109] : memref<50048xf32, #tpu.memory_space<vmem_shared>> -> memref<128xf32, #tpu.memory_space<vmem_shared>>
    %dma_wait3A_111 = arith.constant 0 : i32
    %dma_wait3A_112 = tpu.memref_slice %arg4[%dma_wait3A_111] : memref<50048xf32, #tpu.memory_space<vmem_shared>> -> memref<128xf32, #tpu.memory_space<vmem_shared>>
    tpu.wait_dma2 semaphore(%arg9 : memref<!tpu.dma_semaphore, #tpu.memory_space<semaphore_mem>>) src(%arg6 : memref<128xf32, #tpu.memory_space<vmem>>) dst(%dma_wait3A_112 : memref<128xf32, #tpu.memory_space<vmem_shared>>)
    %barrier3A_113 = arith.constant 0 : index
    tpu.barrier barrier_id(%barrier3A_113)
    %mul3A_114 = arith.constant 3128 : i32
    %mul3A_115 = arith.muli %arg1, %mul3A_114 : i32
    %mul3A_116 = arith.constant 50048 : i32
    %mul3A_117 = arith.muli %arg0, %mul3A_116 : i32
    %mul3A_118 = arith.constant 3128 : i32
    %mul3A_119 = arith.muli %arg1, %mul3A_118 : i32
    %add3A_120 = arith.addi %mul3A_117, %mul3A_119 : i32
    "tpu.region"() ({
      %run_scoped3A = tpu.sem_alloc : memref<!tpu.dma_semaphore, #tpu.memory_space<semaphore_mem>>
      %dma_start3A_121 = tpu.memref_slice %arg3[%add3A_120] : memref<100096xf32, #tpu.memory_space<hbm>> -> memref<3128xf32, #tpu.memory_space<hbm>>
      %dma_start3A_122 = tpu.memref_slice %arg4[%mul3A_115] : memref<50048xf32, #tpu.memory_space<vmem_shared>> -> memref<3128xf32, #tpu.memory_space<vmem_shared>>
      tpu.enqueue_dma source(%dma_start3A_122 : memref<3128xf32, #tpu.memory_space<vmem_shared>>) target(%dma_start3A_121 : memref<3128xf32, #tpu.memory_space<hbm>>) target_semaphore(%run_scoped3A : memref<!tpu.dma_semaphore, #tpu.memory_space<semaphore_mem>>)
      %dma_wait3A_123 = tpu.memref_slice %arg3[%add3A_120] : memref<100096xf32, #tpu.memory_space<hbm>> -> memref<3128xf32, #tpu.memory_space<hbm>>
      %dma_wait3A_124 = tpu.memref_slice %arg4[%mul3A_115] : memref<50048xf32, #tpu.memory_space<vmem_shared>> -> memref<3128xf32, #tpu.memory_space<vmem_shared>>
      tpu.wait_dma2 semaphore(%run_scoped3A : memref<!tpu.dma_semaphore, #tpu.memory_space<semaphore_mem>>) src(%dma_wait3A_124 : memref<3128xf32, #tpu.memory_space<vmem_shared>>) dst(%dma_wait3A_123 : memref<3128xf32, #tpu.memory_space<hbm>>)
      tpu.yield
    }) : () -> ()
    return
  }
}

</mosaic_0001>

<sc_bundles>
// kernel: sc_gcn_degree.3.cloned.1.call-start
scs
__scs_entry_jumppad:
0x0: {  	(pc) =	sbr.rel $0x88, $3  }
0x1: {  	(tag) =	ssettag $0x0;
	lr =	simm.s32 $0x1  }
0x2: {  	[smem:$0x3FA0] =	sst lr;
	_ =	strace $0xD0000000  }
0x3: {  	_ = 	snop  }
0x4: {  	_ = 	snop  }
0x5: {  	_ = 	snop  }
0x6: {  	_ = 	snop  }
0x7: {  	_ = 	snop  }
__scs_overlays_trampoline_lowered:
0x8: {  	[smem:$0x3FAF] =	sst s0  }
0x9: {  	[smem:$0x3FB0] =	sst s1  }
0xa: {  	[smem:$0x3FB1] =	sst s2  }
0xb: {  	[smem:$0x3FB2] =	sst s3  }
0xc: {  	[smem:$0x3FB3] =	sst s4  }
0xd: {  	[smem:$0x3FB4] =	sst s5  }
0xe: {  	[smem:$0x3FB5] =	sst s6  }
0xf: {  	[smem:$0x3FB6] =	sst s7  }
0x10: {  	[smem:$0x3FB7] =	sst s8  }
0x11: {  	[smem:$0x3FB8] =	sst s9;
	s0 =	simm.s32 @!p0 $0x0  }
0x12: {  	s1 =	sld [smem:$0x3F9E];
	s0 =	simm.s32 @p0 $0x1  }
0x13: {  	[smem:$0x3FB9] =	sst s0;
	s0 =	simm.s32 @!p1 $0x0  }
0x14: {  	s2 =	sld [smem:$0x3F9D];
	s0 =	simm.s32 @p1 $0x1  }
0x15: {  	[smem:$0x3FBA] =	sst s0;
	s0 =	simm.s32 @!p2 $0x0  }
0x16: {  	s3 =	sld [smem:$0x3FDB];
	s0 =	simm.s32 @p2 $0x1  }
0x17: {  	s4 =	simm.s32 $0x1BF5;
	[smem:$0x3FBC] =	sst s0  }
0x18: {  	s0 =	sld [smem:$0x3F9F];
	_ =	swait.ge [sflag:s4], $0x0  }
0x19: {  	s7 =	sld [smem:$0x3FA0]  }
0x1a: {  	s8 =	sadd.s32 $0xFFFFE003, lr  }
0x1b: {  	s9 =	sadd.s32 $0xFFFFFEF7, lr;
	s5 =	simm.s32 $0xFFFFFFFF;
	p2 =	slt.u32 s8, $0xFFFFF086  }
0x1c: {  	p1 =	slt.u32 s9, $0xF7A;
	s5 =	simm.s32 @!p2 $0x0  }
0x1d: {  	s5 =	simm.s32 @p1 $0x1;
	p0 =	seq.s32 s7, s2  }
0x1e: {  	s7 =	smul.u32 @!p0 $0xF7A, s2;
	p2 =	seq.s32 @!p0 s5, $0x0  }
0x1f: {  	s9 =	smul.u32 $0xF7A, s1;
	s8 =	simm.s32 @!p0 $0x1BF5;
	p2 =	por !p2, p0  }
0x20: {  	[sflag:s8] =	ssyncset.s32 @!p0 $0xFFFFF086;
	s6 =	sadd.s32 @!p0 s3, s7;
	s7 =	simm.s32 @!p0 $0x108  }
0x21: {  	s3 =	sadd.s32 s3, s9;
	s6 =	sadd.s32 @!p0 $0x88, s6;
	s7 =	simm.s32 @p2 $0x1082  }
0x22: {  	[simem:s7], [sflag:s8] =	dma.local @!p0 [hbm:s6], $0xF7A  }
0x23: {  	s9 =	sor.u32 $0xD0000000, s2;
	s6 =	simm.s32 $0x108;
	_ =	swait.ge @!p0 [sflag:s8], $0x0  }
0x24: {  	s3 =	sadd.s32 $0x88, s3;
	s6 =	simm.s32 @!p1 $0x1082;
	[sflag:s4] =	ssyncset.s32 $0xFFFFF086  }
0x25: {  	[simem:s6], [sflag:s4] =	dma.local [hbm:s3], $0xF7A  }
0x26: {  	[smem:$0x3FA0] =	sst s1;
	(tag) =	ssettag s2;
	_ =	strace s9  }
0x27: {  	s1 =	sld [smem:$0x3FB0]  }
0x28: {  	s2 =	sld [smem:$0x3FB1]  }
0x29: {  	s4 =	sld [smem:$0x3FB3]  }
0x2a: {  	p0 =	seq.s32 s5, $0x0;
	s5 =	sld [smem:$0x3FB4]  }
0x2b: {  	s6 =	sld [smem:$0x3FB5]  }
0x2c: {  	s7 =	sld [smem:$0x3FB6]  }
0x2d: {  	s3 =	simm.s32 $0x108;
	s8 =	sld [smem:$0x3FB7]  }
0x2e: {  	s3 =	simm.s32 @!p0 $0x1082;
	s9 =	sld [smem:$0x3FB8]  }
0x2f: {  	lr =	sadd.s32 s0, s3;
	s0 =	sld [smem:$0x3FAF]  }
0x30: {  	s3 =	sld [smem:$0x3FB2]  }
0x31: {  	[smem:$0x3FBB] =	sst s10  }
0x32: {  	s10 =	sld [smem:$0x3FB9];
	_ =	sdelay $0x3  }
0x33: {  	p0 =	seq.s32 s10, $0x1;
	s10 =	sld [smem:$0x3FBB];
	_ =	sdelay $0x3  }
0x34: {  	[smem:$0x3FBB] =	sst s10  }
0x35: {  	s10 =	sld [smem:$0x3FBA];
	_ =	sdelay $0x3  }
0x36: {  	p1 =	seq.s32 s10, $0x1;
	s10 =	sld [smem:$0x3FBB];
	_ =	sdelay $0x3  }
0x37: {  	[smem:$0x3FBB] =	sst s10  }
0x38: {  	s10 =	sld [smem:$0x3FBC]  }
0x39: {  	_ = 	snop;
	(pc) =	sbr.ind lr, $3  }
0x3a: {  	_ = 	snop  }
0x3b: {  	_ = 	snop  }
0x3c: {  	p2 =	seq.s32 s10, $0x1;
	s10 =	sld [smem:$0x3FBB]  }
0x3d: {  	_ =	shalt  }
0x3e: {  	_ =	shalt  }
0x3f: {  	_ =	shalt  }
0x40: {  	_ =	shalt  }
0x41: {  	_ =	shalt  }
0x42: {  	_ =	shalt  }
0x43: {  	_ =	shalt  }
0x44: {  	_ =	shalt  }
0x45: {  	_ =	shalt  }
0x46: {  	_ =	shalt  }
0x47: {  	_ =	shalt  }
0x48: {  	_ =	shalt  }
0x49: {  	_ =	shalt  }
0x4a: {  	_ =	shalt  }
0x4b: {  	_ =	shalt  }
0x4c: {  	_ =	shalt  }
0x4d: {  	_ =	shalt  }
0x4e: {  	_ =	shalt  }
0x4f: {  	_ =	shalt  }
0x50: {  	_ =	shalt  }
0x51: {  	_ =	shalt  }
0x52: {  	_ =	shalt  }
0x53: {  	_ =	shalt  }
0x54: {  	_ =	shalt  }
0x55: {  	_ =	shalt  }
0x56: {  	_ =	shalt  }
0x57: {  	_ =	shalt  }
0x58: {  	_ =	shalt  }
0x59: {  	_ =	shalt  }
0x5a: {  	_ =	shalt  }
0x5b: {  	_ =	shalt  }
0x5c: {  	_ =	shalt  }
0x5d: {  	_ =	shalt  }
0x5e: {  	_ =	shalt  }
0x5f: {  	_ =	shalt  }
0x60: {  	_ =	shalt  }
0x61: {  	_ =	shalt  }
0x62: {  	_ =	shalt  }
0x63: {  	_ =	shalt  }
0x64: {  	_ =	shalt  }
0x65: {  	_ =	shalt  }
0x66: {  	_ =	shalt  }
0x67: {  	_ =	shalt  }
0x68: {  	_ =	shalt  }
0x69: {  	_ =	shalt  }
0x6a: {  	_ =	shalt  }
0x6b: {  	_ =	shalt  }
0x6c: {  	_ =	shalt  }
0x6d: {  	_ =	shalt  }
0x6e: {  	_ =	shalt  }
0x6f: {  	_ =	shalt  }
0x70: {  	_ =	shalt  }
0x71: {  	_ =	shalt  }
0x72: {  	_ =	shalt  }
0x73: {  	_ =	shalt  }
0x74: {  	_ =	shalt  }
0x75: {  	_ =	shalt  }
0x76: {  	_ =	shalt  }
0x77: {  	_ =	shalt  }
0x78: {  	_ =	shalt  }
0x79: {  	_ =	shalt  }
0x7a: {  	_ =	shalt  }
0x7b: {  	_ =	shalt  }
0x7c: {  	_ =	shalt  }
0x7d: {  	_ =	shalt  }
0x7e: {  	_ =	shalt  }
0x7f: {  	_ =	shalt  }
0x80: {  	_ =	shalt  }
0x81: {  	_ =	shalt  }
0x82: {  	_ =	shalt  }
0x83: {  	_ =	shalt  }
0x84: {  	_ =	shalt  }
0x85: {  	_ =	shalt  }
0x86: {  	_ =	shalt  }
0x87: {  	_ =	shalt  }
.Lfunc_end0:
.L_simem_size_0:
called_computation_lowered:
.L_overlay_start_0:
0x88: {  	s2 =	sld [smem:$0x3FD9]  }
0x89: {  	s3 =	sld [smem:$0x3FFE];
	_ =	sdelay $0x1  }
0x8a: {  	s1 =	srdreg.scid  }
0x8b: {  	s0 =	sand.u32 $0x1, s1  }
0x8c: {  	s18 =	sshll.u32 s0, $0xA;
	s2 =	sadd.s32 s3, s2  }
0x8d: {  	s2 =	sadd.s32 s2, s18  }
0x8e: {  	[smem:$0x3FC7] =	sst s2  }
0x8f: {  	_ = 	snop  }
0x90: {  	s2 =	sld [smem:$0x3FC9]  }
0x91: {  	s19 =	sld [smem:$0x3FD0];
	(tm) =	ssettm $0x1  }
0x92: {  	s4 =	sld [smem:$0x3FFB];
	_ =	sdelay $0x3  }
0x93: {  	_ =	strace s4  }
0x94: {  	s4 =	sld [smem:$0x3FFC];
	_ =	sdelay $0x3  }
0x95: {  	_ =	strace s4  }
0x96: {  	s4 =	sld [smem:$0x3FFD];
	_ =	sdelay $0x3  }
0x97: {  	_ =	strace s4  }
0x98: {  	_ =	strace $0x8FFFFFFF  }
0x99: {  	s20 =	sld [smem:$0x3FDB];
	_ =	sdelay $0x1  }
0x9a: {  	s5 =	simm.s32 $_scs_section_size  }
0x9b: {  	s6 =	simm.s32 $_size__tile_overlayer_lowered;
	s7 =	simm.s32 $_tile_overlayer_lowered  }
0x9c: {  	s23 =	simm.s32 $0x1BFF;
	s22 =	sshll.u32 s7, $0x1;
	s4 =	sadd.s32 s5, s20  }
0x9d: {  	s8 =	simm.s32 $0x0;
	s21 =	sshll.u32 s6, $0x1;
	s6 =	sadd.s32 s22, s4  }
0x9e: {  	[timem:s8], [sflag:s23] =	dma.local [hbm:s6], s21  }
0x9f: {  	_ =	swait.ge [sflag:s23], s21  }
0xa0: {  	s5 =	ssub.s32 $0x0, s21;
	[sflag:s23] =	ssyncset.done $0x0  }
0xa1: {  	[sflag:s23] =	ssyncadd.s32 s5;
	_ =	sdelay $0x1  }
0xa2: {  	s24 =	simm.s32 $0x1B8B  }
0xa3: {  	_ =	swait.ge [sflag:s24], $0x1  }
0xa4: {  	[sflag:s24] =	ssyncset.done $0x0  }
0xa5: {  	s25 =	simm.s32 $0x1B8E;
	[sflag:s24] =	ssyncadd.s32 $0xFFFFFFFF  }
0xa6: {  	s26 =	simm.s32 $execute0_lowered;
	[smem:$0x3FD2] =	sst s25  }
0xa7: {  	s5 =	sshll.u32 s26, $0x1;
	_ =	strace $0x80000046;
	[dreg:$0x1] =	wrdreg $0xFFFFFFFF  }
0xa8: {  	s28 =	simm.s32 $_size_execute0_lowered;
	s4 =	sadd.s32 s4, s5;
	[dreg:$0x0] =	wrdreg $0x0  }
0xa9: {  	s5 =	sshll.u32 s28, $0x1;
	[dreg:$0x2] =	wrdreg s4  }
0xaa: {  	[dreg:$0x3] =	wrdreg s5  }
0xab: {  	[dreg:$0x4] =	wrdreg $0xC0  }
0xac: {  	_ =	task [dreg:s8], $0x5FFFF  }
0xad: {  	[dreg:$0x1] =	wrdreg $0xFFFFFFFF  }
0xae: {  	[dreg:$0x0] =	wrdreg $0x60  }
0xaf: {  	[dreg:$0x2] =	wrdreg s2  }
0xb0: {  	[dreg:$0x3] =	wrdreg s19  }
0xb1: {  	[dreg:$0x4] =	wrdreg $0x0  }
0xb2: {  	[dreg:$0x5] =	wrdreg $0x9  }
0xb3: {  	_ =	task.clear_ibuf [dreg:s8], $0x6FFFF;
	_ =	strace $0x90000046  }
0xb4: {  	s29 =	simm.s32 $0x9;
	_ =	strace $0x80000048  }
0xb5: {  	_ =	swait.ge [sflag:s29], $0x1  }
0xb6: {  	[sflag:s29] =	ssyncadd.s32 $0xFFFFFFFF  }
0xb7: {  	_ =	strace $0x90000048  }
0xb8: {  	_ =	sfence  }
0xb9: {  	s30 =	sld [smem:$0x0];
	_ =	sdelay $0x2  }
0xba: {  	s31 =	sshll.u32 s1, $0xD;
	s1 =	sshrl.u32 s1, $0x2  }
0xbb: {  	s3 =	sand.u32 $0x4000, s31;
	s1 =	sadd.s32 s1, s30  }
0xbc: {  	s0 =	sor.u32 s3, s0;
	s1 =	sshll.u32 s1, $0x11  }
0xbd: {  	s0 =	sor.u32 s1, s0  }
0xbe: {  	s0 =	sadd.s32 $0x8F2B, s0  }
0xbf: {  	[sflag:s0] =	ssyncadd.remote.s32 $0x1  }
0xc0: {  	_ =	sfence.sel $0xFFFF  }
0xc1: {  	[dreg:$0x0] =	wrdreg $0xFFFFFFFF;
	(pc) =	sbr.abs _section_cstart, $3  }
0xc2: {  	[dreg:$0x1] =	wrdreg $0xFFFFFFFF  }
0xc3: {  	_ =	task.clear_ibuf [dreg:s8], $0x2FFFF;
	_ =	strace $0x9FFFFFFF  }
0xc4: {  	(tm) =	ssettm $0x7FFFFFFF  }
0xc5: {  	_ =	shalt  }
tec
execute0_lowered:
.L_overlay_start_1:
0x0: {  	(tag) =	ssettag $0x1  }
0x1: {  	s0 =	srdreg.scid;
	s1 =	rddreg [dreg:$0x0]  }
0x2: {  	s31 =	stileid.u32;
	s12 =	rddreg [dreg:$0x1];
	s5 =	simm.s32 $0x0  }
0x3: {  	s18 =	simm.s32 $0x3;
	s19 =	simm.s32 $0xC38;
	s20 =	simm.s32 $0xCB8  }
0x4: {  	s21 =	simm.s32 $0xD38;
	s22 =	simm.s32 $0x1;
	s23 =	simm.s32 $0x80  }
0x5: {  	s24 =	simm.s32 $0xF38;
	s28 =	simm.s32 $0xEB8;
	s2 =	sand.u32 $0x1, s0  }
0x6: {  	s29 =	simm.s32 $0x2;
	s11 =	smul.u32 $0xC38, s31;
	s3 =	sshll.u32 s2, $0x4  }
0x7: {  	s7 =	ssub.s32 $0x2, s2;
	s2 =	smul.u32 $0xC380, s2;
	s6 =	sor.u32 s31, s3  }
0x8: {  	s30 =	simm.s32 $0x0;
	[smem:$0x7FF] =	sst s5;
	s4 =	smul.u32 $0xC6, s6  }
0x9: {  	s3 =	rddreg [dreg:$0x2];
	s8 =	sshrl.u32 s7, $0x1;
	s13 =	smul.u32 $0xC60, s6  }
0xa: {  	_ =	strace $0x80000047;
	s10 =	smul.u32 $0x6300, s6;
	s14 =	ssub.s32 s7, s8  }
0xb: {  	s6 =	sadd.s32 $0x10, s1;
	s7 =	sadd.s32 s11, s3;
	s2 =	sadd.s32 s11, s2  }
0xc: {  	s2 =	sshrl.u32 s2, $0x3;
	s8 =	sadd.s32 s1, s13;
	s9 =	sadd.s32 s13, s6  }
0xd: {  	s15 =	sshrl.u32 s10, $0x3;
	s10 =	sadd.s32 $0x20, s1;
	s16 =	sadd.s32 $0x30, s13  }
0xe: {  	s12 =	sadd.s32 s12, s2;
	s13 =	smax.u32 s14, $0x1;
	s11 =	sadd.s32 s15, s10  }
0xf: {  	v0 =	vimm.f32 $0.0e+00;
	v1 =	vimm.f32 $1.000000000e+00;
	s14 =	sadd.s32 s1, s16;
	s15 =	sadd.s32 s16, s6;
	s16 =	sadd.s32 s16, s10  }
.LBB2_1:
0x10: {  	s31 =	simm.s32 $0x40;
	s2 =	simm.s32 $0x0  }
.LBB2_2:
0x11: {  	p0 =	sne.s32 s31, $0x30C0;
	[tilespmem:s2+$0xFB8] =	vst v0;
	s2 =	smov.u32 s31;
	s31 =	sadd.s32 $0x40, s31  }
.Ltmp0:
0x12: {  	(pc) =	sbr.rel @p0 .LBB2_2-.Ltmp0, $2  }
0x13: {  	_ =	sdelay $0x2  }
0x14: {  	s2 =	sshra.s32 s2, $0x2  }
0x15: {  	[tilespmem:s2+$0xFB8] =	vst v0  }
0x16: {  	[tilespmem:$0xF38] =	vst v1  }
0x17: {  	[tilespmem:$0xF48] =	vst v1  }
0x18: {  	[tilespmem:$0xF58] =	vst v1  }
0x19: {  	[tilespmem:$0xF68] =	vst v1  }
0x1a: {  	[tilespmem:$0xF78] =	vst v1  }
0x1b: {  	[tilespmem:$0xF88] =	vst v1  }
0x1c: {  	[tilespmem:$0xF98] =	vst v1  }
0x1d: {  	s0 =	simm.s32 $0xFB8;
	[tilespmem:$0xFA8] =	vst v1  }
0x1e: {  	[spmem:s7] =	stream.linear.scatter [tilespmem:s0], [sflag:$0x3], $0xC38, $0x38;
	[tilespmem:$0x1BF8] =	vst v63  }
0x1f: {  	_ =	swait.ge [sflag:s18], $0xC38  }
0x20: {  	[sflag:s18] =	ssyncset.done $0x0  }
0x21: {  	[sflag:s18] =	ssyncadd.s32 $0xFFFFF3C8  }
0x22: {  	[bflag:$0x0] =	sbarrier.arrive $0xFFFF  }
0x23: {  	[tilespmem:s19], [sflag:$0x1] =	stream.linear.gather [hbm4b:s8+s5], $0x80, $0x38;
	[tilespmem:$0x1BF8] =	vst v63  }
0x24: {  	_ = 	snop  }
0x25: {  	[tilespmem:s20], [sflag:$0x1] =	stream.linear.gather [hbm4b:s9+s5], $0x80, $0x38;
	[tilespmem:$0x1BF8] =	vst v63  }
0x26: {  	_ = 	snop  }
0x27: {  	[tilespmem:s21], [sflag:$0x1] =	stream.linear.gather [hbm4b:s11+s5], $0x80, $0x38;
	[tilespmem:$0x1BF8] =	vst v63  }
0x28: {  	_ =	swait.ge [sflag:s22], $0x80  }
0x29: {  	[sflag:s22] =	ssyncset.done $0x0  }
0x2a: {  	[sflag:s22] =	ssyncadd.s32 $0xFFFFFF80  }
0x2b: {  	_ =	swait.ge [sflag:s22], $0x80  }
0x2c: {  	[sflag:s22] =	ssyncset.done $0x0  }
0x2d: {  	[sflag:s22] =	ssyncadd.s32 $0xFFFFFF80  }
0x2e: {  	_ =	swait.ge [sflag:s22], $0x80  }
0x2f: {  	[sflag:s22] =	ssyncset.done $0x0  }
0x30: {  	[sflag:s22] =	ssyncadd.s32 $0xFFFFFF80  }
0x31: {  	[spmem:s3] =	stream.indirect.scatter.add.f32 [tilespmem:s24], [sflag:$0x2], $0x1, s19, s23, $0xb8;
	[tilespmem:$0x1BF8] =	vst v63  }
0x32: {  	_ = 	snop  }
0x33: {  	[spmem:s3] =	stream.indirect.scatter.add.f32 [tilespmem:s24], [sflag:$0x2], $0x1, s20, s23, $0xb8;
	[tilespmem:$0x1BF8] =	vst v63  }
0x34: {  	_ = 	snop  }
0x35: {  	[spmem:s3] =	stream.indirect.scatter.add.f32 [tilespmem:s24], [sflag:$0x2], $0x1, s21, s23, $0xb8;
	[tilespmem:$0x1BF8] =	vst v63  }
0x36: {  	s2 =	simm.s32 $0xDB8  }
0x37: {  	[tilespmem:s2], [sflag:$0x1] =	stream.linear.gather [hbm4b:s14+s5], $0x80, $0x38;
	[tilespmem:$0x1BF8] =	vst v63  }
0x38: {  	s17 =	simm.s32 $0xE38  }
0x39: {  	[tilespmem:s17], [sflag:$0x1] =	stream.linear.gather [hbm4b:s15+s5], $0x80, $0x38;
	[tilespmem:$0x1BF8] =	vst v63  }
0x3a: {  	_ = 	snop  }
0x3b: {  	[tilespmem:s28], [sflag:$0x1] =	stream.linear.gather [hbm4b:s16+s5], $0x80, $0x38;
	[tilespmem:$0x1BF8] =	vst v63  }
0x3c: {  	_ =	swait.ge [sflag:s22], $0x80  }
0x3d: {  	[sflag:s22] =	ssyncset.done $0x0  }
0x3e: {  	[sflag:s22] =	ssyncadd.s32 $0xFFFFFF80  }
0x3f: {  	_ =	swait.ge [sflag:s22], $0x80  }
0x40: {  	[sflag:s22] =	ssyncset.done $0x0  }
0x41: {  	[sflag:s22] =	ssyncadd.s32 $0xFFFFFF80  }
0x42: {  	_ =	swait.ge [sflag:s22], $0x80  }
0x43: {  	[sflag:s22] =	ssyncset.done $0x0  }
0x44: {  	[sflag:s22] =	ssyncadd.s32 $0xFFFFFF80  }
0x45: {  	_ =	swait.ge [sflag:s29], $0x80  }
0x46: {  	[sflag:s29] =	ssyncset.done $0x0  }
0x47: {  	[sflag:s29] =	ssyncadd.s32 $0xFFFFFF80  }
0x48: {  	_ =	swait.ge [sflag:s29], $0x80  }
0x49: {  	s25 =	simm.s32 $0x2;
	[sflag:s29] =	ssyncset.done $0x0  }
0x4a: {  	s31 =	sand.u32 $0x1, s25;
	[sflag:s29] =	ssyncadd.s32 $0xFFFFFF80  }
0x4b: {  	p0 =	seq.s32 s31, $0x1;
	s31 =	simm.s32 $0x0;
	_ =	swait.ge [sflag:s29], $0x80  }
0x4c: {  	s31 =	simm.s32 @!p0 $0x180;
	s2 =	smin.u32 s25, $0x41;
	[sflag:s29] =	ssyncset.done $0x0  }
0x4d: {  	s26 =	sor.u32 $0xC38, s31;
	s2 =	smul.u32 $0x3, s2;
	[sflag:s29] =	ssyncadd.s32 $0xFFFFFF80  }
0x4e: {  	[spmem:s3] =	stream.indirect.scatter.add.f32 [tilespmem:s24], [sflag:$0x2], $0x1, s26, s23, $0xb8;
	[tilespmem:$0x1BF8] =	vst v63  }
0x4f: {  	s17 =	sadd.s32 $0xCB8, s31;
	s2 =	sadd.s32 s4, s2  }
0x50: {  	[spmem:s3] =	stream.indirect.scatter.add.f32 [tilespmem:s24], [sflag:$0x2], $0x1, s17, s23, $0xb8;
	[tilespmem:$0x1BF8] =	vst v63  }
0x51: {  	s25 =	sxor.u32 $0x180, s31;
	s2 =	sshll.u32 s2, $0x4;
	s17 =	sadd.s32 $0xD38, s31  }
0x52: {  	[spmem:s3] =	stream.indirect.scatter.add.f32 [tilespmem:s24], [sflag:$0x2], $0x1, s17, s23, $0xb8;
	[tilespmem:$0x1BF8] =	vst v63  }
0x53: {  	s0 =	sor.u32 $0xC38, s25;
	s26 =	sadd.s32 s1, s2  }
0x54: {  	[tilespmem:s0], [sflag:$0x1] =	stream.linear.gather [hbm4b:s26+s5], $0x80, $0x38;
	[tilespmem:$0x1BF8] =	vst v63  }
0x55: {  	s25 =	ssub.s32 $0xE38, s31;
	s17 =	sadd.s32 s2, s6  }
0x56: {  	[tilespmem:s25], [sflag:$0x1] =	stream.linear.gather [hbm4b:s17+s5], $0x80, $0x38;
	[tilespmem:$0x1BF8] =	vst v63  }
0x57: {  	s2 =	sadd.s32 s2, s10;
	s26 =	ssub.s32 $0xEB8, s31  }
0x58: {  	[tilespmem:s26], [sflag:$0x1] =	stream.linear.gather [hbm4b:s2+s5], $0x80, $0x38;
	[tilespmem:$0x1BF8] =	vst v63  }
0x59: {  	_ =	swait.ge [sflag:s22], $0x80  }
0x5a: {  	[sflag:s22] =	ssyncset.done $0x0  }
0x5b: {  	[sflag:s22] =	ssyncadd.s32 $0xFFFFFF80  }
0x5c: {  	_ =	swait.ge [sflag:s22], $0x80  }
0x5d: {  	[sflag:s22] =	ssyncset.done $0x0  }
0x5e: {  	[sflag:s22] =	ssyncadd.s32 $0xFFFFFF80  }
0x5f: {  	s31 =	simm.s32 $0x3;
	_ =	swait.ge [sflag:s22], $0x80  }
.LBB2_4:
0x60: {  	p0 =	sne.s32 s31, $0x42  }
0x61: {  	[sflag:s22] =	ssyncset.done $0x0;
	s0 =	smov.u32 s31;
	s31 =	sadd.s32 $0x1, s31  }
0x62: {  	[sflag:s22] =	ssyncadd.s32 $0xFFFFFF80  }
0x63: {  	_ =	swait.ge [sflag:s29], $0x80  }
0x64: {  	[sflag:s29] =	ssyncset.done $0x0  }
0x65: {  	[sflag:s29] =	ssyncadd.s32 $0xFFFFFF80  }
0x66: {  	_ =	swait.ge [sflag:s29], $0x80  }
0x67: {  	s2 =	sand.u32 $0x1, s0;
	[sflag:s29] =	ssyncset.done $0x0  }
0x68: {  	p1 =	seq.s32 s2, $0x1;
	s2 =	simm.s32 $0x0;
	[sflag:s29] =	ssyncadd.s32 $0xFFFFFF80  }
0x69: {  	s2 =	simm.s32 @!p1 $0x180;
	_ =	swait.ge [sflag:s29], $0x80  }
0x6a: {  	s0 =	smin.u32 s0, $0x41;
	s17 =	sor.u32 $0xC38, s2;
	[sflag:s29] =	ssyncset.done $0x0  }
0x6b: {  	s0 =	smul.u32 $0x3, s0;
	s25 =	sxor.u32 $0x180, s2;
	[sflag:s29] =	ssyncadd.s32 $0xFFFFFF80  }
0x6c: {  	[spmem:s3] =	stream.indirect.scatter.add.f32 [tilespmem:s24], [sflag:$0x2], $0x1, s17, s23, $0xb8;
	[tilespmem:$0x1BF8] =	vst v63  }
0x6d: {  	s0 =	sadd.s32 s4, s0;
	s17 =	sadd.s32 $0xCB8, s2  }
0x6e: {  	[spmem:s3] =	stream.indirect.scatter.add.f32 [tilespmem:s24], [sflag:$0x2], $0x1, s17, s23, $0xb8;
	[tilespmem:$0x1BF8] =	vst v63  }
0x6f: {  	s0 =	sshll.u32 s0, $0x4;
	s17 =	sadd.s32 $0xD38, s2  }
0x70: {  	[spmem:s3] =	stream.indirect.scatter.add.f32 [tilespmem:s24], [sflag:$0x2], $0x1, s17, s23, $0xb8;
	[tilespmem:$0x1BF8] =	vst v63  }
0x71: {  	s26 =	sadd.s32 s0, s6;
	s17 =	sor.u32 $0xC38, s25;
	s25 =	sadd.s32 s1, s0  }
0x72: {  	[tilespmem:s17], [sflag:$0x1] =	stream.linear.gather [hbm4b:s25+s5], $0x80, $0x38;
	[tilespmem:$0x1BF8] =	vst v63  }
0x73: {  	s0 =	sadd.s32 s0, s10;
	s17 =	ssub.s32 $0xE38, s2;
	s2 =	ssub.s32 $0xEB8, s2  }
0x74: {  	[tilespmem:s17], [sflag:$0x1] =	stream.linear.gather [hbm4b:s26+s5], $0x80, $0x38;
	[tilespmem:$0x1BF8] =	vst v63  }
0x75: {  	_ = 	snop  }
0x76: {  	[tilespmem:s2], [sflag:$0x1] =	stream.linear.gather [hbm4b:s0+s5], $0x80, $0x38;
	[tilespmem:$0x1BF8] =	vst v63  }
0x77: {  	_ =	swait.ge [sflag:s22], $0x80  }
0x78: {  	[sflag:s22] =	ssyncset.done $0x0  }
.Ltmp1:
0x79: {  	[sflag:s22] =	ssyncadd.s32 $0xFFFFFF80;
	(pc) =	sbr.rel @p0 .LBB2_4-.Ltmp1, $4  }
0x7a: {  	_ =	swait.ge [sflag:s22], $0x80  }
0x7b: {  	[sflag:s22] =	ssyncset.done $0x0  }
0x7c: {  	[sflag:s22] =	ssyncadd.s32 $0xFFFFFF80  }
0x7d: {  	_ =	swait.ge [sflag:s22], $0x80  }
0x7e: {  	[sflag:s22] =	ssyncset.done $0x0  }
0x7f: {  	[sflag:s22] =	ssyncadd.s32 $0xFFFFFF80  }
0x80: {  	_ =	swait.ge [sflag:s29], $0x80  }
0x81: {  	[sflag:s29] =	ssyncset.done $0x0  }
0x82: {  	[sflag:s29] =	ssyncadd.s32 $0xFFFFFF80  }
0x83: {  	_ =	swait.ge [sflag:s29], $0x80  }
0x84: {  	[sflag:s29] =	ssyncset.done $0x0  }
0x85: {  	[sflag:s29] =	ssyncadd.s32 $0xFFFFFF80  }
0x86: {  	s0 =	stileid.u32;
	_ =	swait.ge [sflag:s29], $0x80  }
0x87: {  	s2 =	sshrl.u32 s7, $0x3;
	s30 =	sadd.s32 $0x1, s30;
	[sflag:s29] =	ssyncset.done $0x0  }
0x88: {  	s0 =	sshll.u32 s0, $0x6;
	p0 =	sne.s32 s30, s13;
	[sflag:s29] =	ssyncadd.s32 $0xFFFFFF80  }
.Ltmp2:
0x89: {  	s0 =	sor.u32 $0x1C03, s0;
	[bflag:$0x0] =	sbarrier.arrive $0xFFFF;
	(pc) =	sbr.rel @p0 .LBB2_1-.Ltmp2, $4  }
0x8a: {  	[hbm:s12], [sflag:s0] =	dma.local [spmem:s2], $0x187  }
0x8b: {  	_ =	swait.ge [sflag:s18], $0x187  }
0x8c: {  	[sflag:s18] =	ssyncset.done $0x0  }
0x8d: {  	[sflag:s18] =	ssyncadd.s32 $0xFFFFFE79  }
0x8e: {  	_ =	sfence.sel $0x180000  }
0x8f: {  	[bflag:$0x0] =	sbarrier.arrive $0xFFFF  }
0x90: {  	_ =	strace $0x90000047  }
0x91: {  	s0 =	stileid.u32;
	[bflag:$0x2] =	sbarrier.arrive $0xFFFF  }
0x92: {  	p0 =	sne.s32 s0, $0x0;
	s0 =	rddreg [dreg:$0x3]  }
0x93: {  	s0 =	sadd.s32 @!p0 $0x100000, s0  }
0x94: {  	[sflag:s0] =	ssyncadd.tile.s32 @!p0 $0x1;
	_ =	shalt  }
.Lfunc_end2:
_tile_overlayer_lowered:
.L_overlay_start_2:
0x95: {  	(tag) =	ssettag $0x2  }
0x96: {  	s0 =	rddreg [dreg:$0x0];
	s2 =	stileid.u32  }
0x97: {  	s1 =	rddreg [dreg:$0x1];
	p0 =	sne.s32 s2, $0x0  }
0x98: {  	s3 =	rddreg [dreg:$0x2];
	[bflag:$0x3] =	sbarrier.arrive $0xFFFF;
	s2 =	simm.s32 @!p0 $0x1C03  }
0x99: {  	[timem:s3], [sflag:s2] =	dma.local @!p0 [hbm:s0], s1  }
0x9a: {  	s0 =	simm.s32 @!p0 $0x3  }
0x9b: {  	_ =	swait.ge @!p0 [sflag:s0], s1  }
0x9c: {  	s1 =	ssub.s32 @!p0 $0x0, s1;
	[sflag:s0] =	ssyncset.done @!p0 $0x0  }
0x9d: {  	[sflag:s0] =	ssyncadd.s32 @!p0 s1  }
0x9e: {  	[bflag:$0x3] =	sbarrier.arrive $0xFFFF  }
0x9f: {  	_ =	shalt  }

</sc_bundles>
